<compile_context>
chip_gen: v7x
topology: tpu7x:2x2x1
jax: 0.10.2.dev20260603
libtpu: 0.0.44.dev20260713+nightly
codegen_flags: <defaults>
</compile_context>

<pallas_src>
import functools

import jax
import jax.numpy as jnp
from jax import lax
from jax.experimental import pallas as pl
from jax.experimental.pallas import tpu as pltpu
from jax.experimental.pallas import tpu_sc as plsc

B = 8192
K = 26
D = 256
HD = D // 2
H = 512
NLAT = 19683

NC = 2
NS = 16
NW = NC * NS
CPW = B // NW
RPW = CPW * K
PCH = 128
NCH = RPW // PCH
NBUF = 3

QCLIP = 4.0
QSCALE = 1023.0 / (2.0 * QCLIP)

BB = 256
F32 = jnp.float32
BF16 = jnp.bfloat16
U32 = jnp.uint32


def _tables_body(lat_ref, wmbe_ref, wmbo_ref, wgb_ref, p_ref, q_ref):
    lat16 = lat_ref[...].astype(BF16)
    pe = jnp.dot(lat16, wmbe_ref[...], preferred_element_type=F32)
    po = jnp.dot(lat16, wmbo_ref[...], preferred_element_type=F32)
    peu = lax.bitcast_convert_type(pe.astype(BF16), jnp.uint16).astype(U32)
    pou = lax.bitcast_convert_type(po.astype(BF16), jnp.uint16).astype(U32)
    p_ref[...] = lax.bitcast_convert_type((pou << 16) | peu, jnp.int32)

    qf = jnp.dot(lat16, wgb_ref[...], preferred_element_type=F32)
    qc = (jnp.clip(qf, -QCLIP, QCLIP) + QCLIP) * QSCALE + 0.5
    qu = qc.astype(U32)
    packed = (qu[:, 0:1] | (qu[:, 1:2] << 10) | (qu[:, 2:3] << 20))
    q_ref[...] = lax.bitcast_convert_type(packed, jnp.int32)


def _sc_gather_body(p_hbm, qt_hbm, fidxp_hbm, fidxq_hbm, pg_hbm, qg_hbm,
                    idx_all, qidx_all, qg_st, prow0, prow1, prow2,
                    qrow0, qrow1, qrow2,
                    semi, semj, semg,
                    semp0, semp1, semp2, semq0, semq1, semq2,
                    semw0, semw1, semw2):
    wid = lax.axis_index("s") * NC + lax.axis_index("c")
    rbase = wid * RPW
    bufs = ((prow0, qrow0, semp0, semq0, semw0),
            (prow1, qrow1, semp1, semq1, semw1),
            (prow2, qrow2, semp2, semq2, semw2))

    cpi = pltpu.async_copy(fidxp_hbm.at[pl.ds(rbase, RPW)], idx_all, semi)
    cpj = pltpu.async_copy(fidxq_hbm.at[pl.ds(rbase, RPW)], qidx_all, semj)
    cpi.wait()
    cpj.wait()

    def start_gather(ch, pr, qr, sp, sq):
        isl = idx_all.at[pl.ds(ch * PCH, PCH)]
        jsl = qidx_all.at[pl.ds(ch * PCH, PCH)]
        pltpu.async_copy(p_hbm.at[isl], pr, sp)
        pltpu.async_copy(qt_hbm.at[jsl], qr, sq)

    for b in range(NBUF):
        start_gather(b, bufs[b][0], bufs[b][1], bufs[b][2], bufs[b][3])

    def chunk(ch, carry):
        for b in range(NBUF):
            pr, qr, sp, sq, sw = bufs[b]

            @pl.when(lax.rem(ch, NBUF) == b)
            def _():
                isl = idx_all.at[pl.ds(0, PCH)]
                pltpu.make_async_copy(p_hbm.at[isl], pr, sp).wait()
                pltpu.async_copy(pr, pg_hbm.at[pl.ds(rbase + ch * PCH, PCH)],
                                 sw)
                pltpu.make_async_copy(qt_hbm.at[isl], qr, sq).wait()
                for v in range(PCH // 16):
                    qg_st[pl.ds(ch * PCH + v * 16, 16)] = qr[pl.ds(v * 16, 16)]

                @pl.when(ch + NBUF < NCH)
                def _():
                    pltpu.make_async_copy(
                        pr, pg_hbm.at[pl.ds(rbase, PCH)], sw).wait()
                    start_gather(ch + NBUF, pr, qr, sp, sq)
        return carry

    lax.fori_loop(0, NCH, chunk, 0)
    for b in range(NBUF):
        pr, _, _, _, sw = bufs[b]
        pltpu.make_async_copy(pr, pg_hbm.at[pl.ds(rbase, PCH)], sw).wait()
    pltpu.async_copy(qg_st, qg_hbm.at[pl.ds(rbase, RPW)], semg).wait()


def _moe_body(cs_ref, pg_ref, qg_ref, wmtp_ref, wl_ref, wut_ref, wubp_ref,
              wc1_ref, wc2_ref, wg8_ref, bmsgp_ref, bl_ref, bupd_ref,
              bc1_ref, bc2_ref, bg8_ref, out_ref):
    cs = cs_ref[...]
    cs16 = cs.astype(BF16)

    ap = (jnp.dot(cs16, wmtp_ref[...], preferred_element_type=F32)
          + bmsgp_ref[...])
    ae = ap[:, :HD]
    ao = ap[:, HD:]
    acce = jnp.zeros_like(ae)
    acco = jnp.zeros_like(ao)
    for k in range(K):
        pk = pg_ref[k * BB:(k + 1) * BB, :]
        lo = lax.bitcast_convert_type(pk << 16, F32)
        hi = lax.bitcast_convert_type(pk & jnp.int32(-65536), F32)
        acce = acce + jnp.tanh(ae + lo)
        acco = acco + jnp.tanh(ao + hi)
    aggp = jnp.concatenate([acce, acco], axis=-1) * (1.0 / K)

    qg = qg_ref[...]
    s0 = jnp.sum((qg & 1023).astype(F32), -1, keepdims=True)
    s1 = jnp.sum(((qg >> 10) & 1023).astype(F32), -1, keepdims=True)
    s2 = jnp.sum(((qg >> 20) & 1023).astype(F32), -1, keepdims=True)
    gl = (jnp.dot(cs16, wg8_ref[...], preferred_element_type=F32)
          + bg8_ref[...])
    dq = 1.0 / (QSCALE * K)
    l0 = gl[:, 0:1] + s0 * dq - QCLIP
    l1 = gl[:, 1:2] + s1 * dq - QCLIP
    l2 = gl[:, 2:3] + s2 * dq - QCLIP
    m = jnp.maximum(jnp.maximum(l0, l1), l2)
    e0 = jnp.exp(l0 - m)
    e1 = jnp.exp(l1 - m)
    e2 = jnp.exp(l2 - m)
    esum = e0 + e1 + e2

    local = jnp.tanh(jnp.dot(cs16, wl_ref[...], preferred_element_type=F32)
                     + bl_ref[...])
    func = jnp.tanh(jnp.dot(cs16, wut_ref[...], preferred_element_type=F32)
                    + jnp.dot(aggp.astype(BF16), wubp_ref[...],
                              preferred_element_type=F32)
                    + bupd_ref[...])

    x = cs
    for _ in range(3):
        h = jnp.tanh(jnp.dot(x.astype(BF16), wc1_ref[...],
                             preferred_element_type=F32) + bc1_ref[...])
        dx = jnp.dot(h.astype(BF16), wc2_ref[...],
                     preferred_element_type=F32) + bc2_ref[...]
        x = x + jnp.float32(0.1) * dx

    out_ref[...] = (e0 * local + e1 * func + e2 * x) / esum


def kernel(current_state, cell_idx, neighbor_indices, full_lattice_states,
           W_g, b_g, W_l, b_l, W_msg, b_msg, W_upd, b_upd,
           W_c1, b_c1, W_c2, b_c2):
    del cell_idx
    wmt = W_msg[:D]
    wmb = W_msg[D:]
    wmtp = jnp.concatenate([wmt[:, 0::2], wmt[:, 1::2]], 1).astype(BF16)
    bmsgp = jnp.concatenate([b_msg[0::2], b_msg[1::2]]).reshape(1, D)
    wmbe = wmb[:, 0::2].astype(BF16)
    wmbo = wmb[:, 1::2].astype(BF16)
    wg8t = jnp.pad(W_g[:D], ((0, 0), (0, 5))).astype(BF16)
    wg8b = jnp.pad(W_g[D:], ((0, 0), (0, 5))).astype(BF16)
    bg8 = jnp.pad(b_g, (0, 5)).reshape(1, 8)
    wl = W_l.astype(BF16)
    wut = W_upd[:D].astype(BF16)
    wub = W_upd[D:]
    wubp = jnp.concatenate([wub[0::2, :], wub[1::2, :]], 0).astype(BF16)
    wc1 = W_c1.astype(BF16)
    wc2 = W_c2.astype(BF16)
    bl = b_l.reshape(1, D)
    bupd = b_upd.reshape(1, D)
    bc1 = b_c1.reshape(1, H)
    bc2 = b_c2.reshape(1, D)
    nidx = neighbor_indices.astype(jnp.int32)
    fidxp = nidx.reshape(NW, CPW, K).transpose(0, 2, 1).reshape(B * K)
    fidxq = nidx.reshape(B * K)

    nblk = 1024
    ngrid = (NLAT + nblk - 1) // nblk
    p_tab, q_tab = pl.pallas_call(
        _tables_body,
        grid=(ngrid,),
        in_specs=[
            pl.BlockSpec((nblk, D), lambda i: (i, 0)),
            pl.BlockSpec((D, HD), lambda i: (0, 0)),
            pl.BlockSpec((D, HD), lambda i: (0, 0)),
            pl.BlockSpec((D, 8), lambda i: (0, 0)),
        ],
        out_specs=[
            pl.BlockSpec((nblk, HD), lambda i: (i, 0)),
            pl.BlockSpec((nblk, 1), lambda i: (i, 0)),
        ],
        out_shape=[
            jax.ShapeDtypeStruct((NLAT, HD), jnp.int32),
            jax.ShapeDtypeStruct((NLAT, 1), jnp.int32),
        ],
    )(full_lattice_states, wmbe, wmbo, wg8b)
    qt_flat = q_tab.reshape(NLAT)

    mesh = plsc.VectorSubcoreMesh(core_axis_name="c", subcore_axis_name="s")
    sc_gather = functools.partial(
        pl.kernel, mesh=mesh,
        out_type=[
            jax.ShapeDtypeStruct((B * K, HD), jnp.int32),
            jax.ShapeDtypeStruct((B * K,), jnp.int32),
        ],
        scratch_types=(
            [pltpu.VMEM((RPW,), jnp.int32),
             pltpu.VMEM((RPW,), jnp.int32),
             pltpu.VMEM((RPW,), jnp.int32)]
            + [pltpu.VMEM((PCH, HD), jnp.int32) for _ in range(NBUF)]
            + [pltpu.VMEM((PCH,), jnp.int32) for _ in range(NBUF)]
            + [pltpu.SemaphoreType.DMA for _ in range(3 + 3 * NBUF)]
        ),
    )(_sc_gather_body)
    pg, qg = sc_gather(p_tab, qt_flat, fidxp, fidxq)
    qg2 = qg.reshape(B, K)

    out = pl.pallas_call(
        _moe_body,
        grid=(B // BB,),
        in_specs=[
            pl.BlockSpec((BB, D), lambda i: (i, 0)),
            pl.BlockSpec((BB * K, HD), lambda i: (i, 0)),
            pl.BlockSpec((BB, K), lambda i: (i, 0)),
            pl.BlockSpec((D, D), lambda i: (0, 0)),
            pl.BlockSpec((D, D), lambda i: (0, 0)),
            pl.BlockSpec((D, D), lambda i: (0, 0)),
            pl.BlockSpec((D, D), lambda i: (0, 0)),
            pl.BlockSpec((D, H), lambda i: (0, 0)),
            pl.BlockSpec((H, D), lambda i: (0, 0)),
            pl.BlockSpec((D, 8), lambda i: (0, 0)),
            pl.BlockSpec((1, D), lambda i: (0, 0)),
            pl.BlockSpec((1, D), lambda i: (0, 0)),
            pl.BlockSpec((1, D), lambda i: (0, 0)),
            pl.BlockSpec((1, H), lambda i: (0, 0)),
            pl.BlockSpec((1, D), lambda i: (0, 0)),
            pl.BlockSpec((1, 8), lambda i: (0, 0)),
        ],
        out_specs=pl.BlockSpec((BB, D), lambda i: (i, 0)),
        out_shape=jax.ShapeDtypeStruct((B, D), F32),
    )(current_state, pg, qg2, wmtp, wl, wut, wubp, wc1, wc2, wg8t,
      bmsgp, bl, bupd, bc1, bc2, bg8)
    return out

# --- scband reference (transcript-rebuilt; emitter-appended) ---
"""Pipeline reference for scband-mo-econnection-processor-28810640622311 (READ-ONLY COPY).

The authoritative reference and input builder live on the scoring server;
editing this copy changes nothing except your own understanding.
"""

import jax, jax.numpy as jnp
import numpy as np

B = 8192      # batched active cells
K = 26        # neighbors per cell
D = 256       # state_size
H = 512       # CNF hidden width
N = 19683     # 27*27*27 lattice cells


def setup_inputs(seed: int = 0) -> dict:
    key = jax.random.key(seed)
    ks = jax.random.split(key, 16)
    s = 0.02
    inp = {}
    inp['current_state'] = jax.random.normal(ks[0], (B, D), dtype=jnp.float32)
    inp['cell_idx'] = 0
    inp['neighbor_indices'] = jax.random.randint(ks[1], (B, K), 0, N)
    inp['full_lattice_states'] = jax.random.normal(ks[2], (N, D), dtype=jnp.float32)
    # gating network (current_state ++ mean(neighbors) -> 3 expert weights)
    inp['W_g'] = jax.random.normal(ks[3], (2 * D, 3), dtype=jnp.float32) * s
    inp['b_g'] = jnp.zeros((3,), dtype=jnp.float32)
    # local expert: simple linear
    inp['W_l'] = jax.random.normal(ks[4], (D, D), dtype=jnp.float32) * s
    inp['b_l'] = jnp.zeros((D,), dtype=jnp.float32)
    # functional expert: hybrid GNN (message + update)
    inp['W_msg'] = jax.random.normal(ks[5], (2 * D, D), dtype=jnp.float32) * s
    inp['b_msg'] = jnp.zeros((D,), dtype=jnp.float32)
    inp['W_upd'] = jax.random.normal(ks[6], (2 * D, D), dtype=jnp.float32) * s
    inp['b_upd'] = jnp.zeros((D,), dtype=jnp.float32)
    # distant expert: lightweight CNF (Euler-integrated neural ODE)
    inp['W_c1'] = jax.random.normal(ks[7], (D, H), dtype=jnp.float32) * s
    inp['b_c1'] = jnp.zeros((H,), dtype=jnp.float32)
    inp['W_c2'] = jax.random.normal(ks[8], (H, D), dtype=jnp.float32) * s
    inp['b_c2'] = jnp.zeros((D,), dtype=jnp.float32)
    return inp


def reference(current_state, cell_idx, neighbor_indices, full_lattice_states,
              W_g, b_g, W_l, b_l, W_msg, b_msg, W_upd, b_upd,
              W_c1, b_c1, W_c2, b_c2):
    # extract neighbor states from the full lattice (the module's main code path)
    neigh = jnp.take(full_lattice_states, neighbor_indices, axis=0)  # [B, K, D]
    neigh_mean = jnp.mean(neigh, axis=1)  # [B, D]

    # gating network: adaptive weighting over 3 experts
    gate_in = jnp.concatenate([current_state, neigh_mean], axis=-1)  # [B, 2D]
    gates = jax.nn.softmax(gate_in @ W_g + b_g, axis=-1)  # [B, 3]

    # local expert (SimpleLinear)
    local_out = jnp.tanh(current_state @ W_l + b_l)  # [B, D]

    # functional expert (HybridGNN): per-neighbor messages + update
    cur_exp = jnp.broadcast_to(current_state[:, None, :], (current_state.shape[0], neigh.shape[1], current_state.shape[1]))
    msg_in = jnp.concatenate([cur_exp, neigh], axis=-1)  # [B, K, 2D]
    msgs = jnp.tanh(msg_in @ W_msg + b_msg)  # [B, K, D]
    agg = jnp.mean(msgs, axis=1)  # [B, D]
    func_in = jnp.concatenate([current_state, agg], axis=-1)  # [B, 2D]
    func_out = jnp.tanh(func_in @ W_upd + b_upd)  # [B, D]

    # distant expert (LightweightCNF): 3-step Euler integration
    x = current_state
    dt = jnp.float32(0.1)
    for _ in range(3):
        dx = jnp.tanh(x @ W_c1 + b_c1) @ W_c2 + b_c2
        x = x + dt * dx
    distant_out = x  # [B, D]

    new_state = (gates[:, 0:1] * local_out
                 + gates[:, 1:2] * func_out
                 + gates[:, 2:3] * distant_out)  # [B, D]
    return new_state

if __name__ == "__main__":
    import jax
    _d = setup_inputs()
    print(jax.jit(kernel)(*tuple(_d.values())))

</pallas_src>

<mosaic_0001>
#map = affine_map<(d0, d1) -> (0, 0)>
#map1 = affine_map<(d0, d1) -> (0)>
module attributes {stable_mosaic.version = 14 : i64} {
  func.func @_sc_gather_body(%arg0: i32, %arg1: i32, %arg2: memref<19683x128xi32, #tpu.memory_space<hbm>>, %arg3: memref<19683xi32, #tpu.memory_space<hbm>>, %arg4: memref<212992xi32, #tpu.memory_space<hbm>>, %arg5: memref<212992xi32, #tpu.memory_space<hbm>>, %arg6: memref<212992x128xi32, #tpu.memory_space<hbm>>, %arg7: memref<212992xi32, #tpu.memory_space<hbm>>, %arg8: memref<6656xi32, #tpu.memory_space<vmem>>, %arg9: memref<6656xi32, #tpu.memory_space<vmem>>, %arg10: memref<6656xi32, #tpu.memory_space<vmem>>, %arg11: memref<128x128xi32, #tpu.memory_space<vmem>>, %arg12: memref<128x128xi32, #tpu.memory_space<vmem>>, %arg13: memref<128x128xi32, #tpu.memory_space<vmem>>, %arg14: memref<128xi32, #tpu.memory_space<vmem>>, %arg15: memref<128xi32, #tpu.memory_space<vmem>>, %arg16: memref<128xi32, #tpu.memory_space<vmem>>, %arg17: memref<!tpu.dma_semaphore, #tpu.memory_space<semaphore_mem>>, %arg18: memref<!tpu.dma_semaphore, #tpu.memory_space<semaphore_mem>>, %arg19: memref<!tpu.dma_semaphore, #tpu.memory_space<semaphore_mem>>, %arg20: memref<!tpu.dma_semaphore, #tpu.memory_space<semaphore_mem>>, %arg21: memref<!tpu.dma_semaphore, #tpu.memory_space<semaphore_mem>>, %arg22: memref<!tpu.dma_semaphore, #tpu.memory_space<semaphore_mem>>, %arg23: memref<!tpu.dma_semaphore, #tpu.memory_space<semaphore_mem>>, %arg24: memref<!tpu.dma_semaphore, #tpu.memory_space<semaphore_mem>>, %arg25: memref<!tpu.dma_semaphore, #tpu.memory_space<semaphore_mem>>, %arg26: memref<!tpu.dma_semaphore, #tpu.memory_space<semaphore_mem>>, %arg27: memref<!tpu.dma_semaphore, #tpu.memory_space<semaphore_mem>>, %arg28: memref<!tpu.dma_semaphore, #tpu.memory_space<semaphore_mem>>) attributes {dimension_semantics = [#tpu.dimension_semantics<core_parallel>, #tpu.dimension_semantics<subcore_parallel>], iteration_bounds = array<i64: 2, 16>, scalar_prefetch = 0 : i64, scratch_operands = 21 : i64, tpu.core_type = #tpu.core_type<sc_vector_subcore>, window_params = [{transform_indices = #map}, {transform_indices = #map1}, {transform_indices = #map1}, {transform_indices = #map1}, {transform_indices = #map}, {transform_indices = #map1}]} {
    %mul3A = arith.constant 2 : i32
    %mul3A_0 = arith.muli %arg1, %mul3A : i32
    %add3A = arith.addi %mul3A_0, %arg0 : i32
    %mul3A_1 = arith.constant 6656 : i32
    %mul3A_2 = arith.muli %add3A, %mul3A_1 : i32
    %dma_start3A = tpu.memref_slice %arg4[%mul3A_2] : memref<212992xi32, #tpu.memory_space<hbm>> -> memref<6656xi32, #tpu.memory_space<hbm>>
    %dma_start3A_3 = tpu.memref_slice %arg4[%mul3A_2] : memref<212992xi32, #tpu.memory_space<hbm>> -> memref<6656xi32, #tpu.memory_space<hbm>>
    tpu.enqueue_dma source(%dma_start3A_3 : memref<6656xi32, #tpu.memory_space<hbm>>) target(%arg8 : memref<6656xi32, #tpu.memory_space<vmem>>) target_semaphore(%arg17 : memref<!tpu.dma_semaphore, #tpu.memory_space<semaphore_mem>>)
    %dma_start3A_4 = tpu.memref_slice %arg5[%mul3A_2] : memref<212992xi32, #tpu.memory_space<hbm>> -> memref<6656xi32, #tpu.memory_space<hbm>>
    %dma_start3A_5 = tpu.memref_slice %arg5[%mul3A_2] : memref<212992xi32, #tpu.memory_space<hbm>> -> memref<6656xi32, #tpu.memory_space<hbm>>
    tpu.enqueue_dma source(%dma_start3A_5 : memref<6656xi32, #tpu.memory_space<hbm>>) target(%arg9 : memref<6656xi32, #tpu.memory_space<vmem>>) target_semaphore(%arg18 : memref<!tpu.dma_semaphore, #tpu.memory_space<semaphore_mem>>)
    %dma_wait3A = tpu.memref_slice %arg4[%mul3A_2] : memref<212992xi32, #tpu.memory_space<hbm>> -> memref<6656xi32, #tpu.memory_space<hbm>>
    %dma_wait3A_6 = tpu.memref_slice %arg4[%mul3A_2] : memref<212992xi32, #tpu.memory_space<hbm>> -> memref<6656xi32, #tpu.memory_space<hbm>>
    tpu.wait_dma2 semaphore(%arg17 : memref<!tpu.dma_semaphore, #tpu.memory_space<semaphore_mem>>) src(%dma_wait3A_6 : memref<6656xi32, #tpu.memory_space<hbm>>) dst(%arg8 : memref<6656xi32, #tpu.memory_space<vmem>>)
    %dma_wait3A_7 = tpu.memref_slice %arg5[%mul3A_2] : memref<212992xi32, #tpu.memory_space<hbm>> -> memref<6656xi32, #tpu.memory_space<hbm>>
    %dma_wait3A_8 = tpu.memref_slice %arg5[%mul3A_2] : memref<212992xi32, #tpu.memory_space<hbm>> -> memref<6656xi32, #tpu.memory_space<hbm>>
    tpu.wait_dma2 semaphore(%arg18 : memref<!tpu.dma_semaphore, #tpu.memory_space<semaphore_mem>>) src(%dma_wait3A_8 : memref<6656xi32, #tpu.memory_space<hbm>>) dst(%arg9 : memref<6656xi32, #tpu.memory_space<vmem>>)
    %dma_start3A_9 = arith.constant 0 : i32
    %dma_start3A_10 = tpu.memref_slice %arg8[%dma_start3A_9] : memref<6656xi32, #tpu.memory_space<vmem>> -> memref<128xi32, #tpu.memory_space<vmem>>
    %dma_start3A_11 = arith.constant 0 : i32
    %dma_start3A_12 = arith.constant 0 : i32
    %dma_start3A_13 = tpu.memref_slice %arg2[%dma_start3A_11, %dma_start3A_12] : memref<19683x128xi32, #tpu.memory_space<hbm>> -> memref<19683x128xi32, #tpu.memory_space<hbm>>
    tpu.enqueue_indirect_dma source(%dma_start3A_13 : memref<19683x128xi32, #tpu.memory_space<hbm>>) target(%arg11 : memref<128x128xi32, #tpu.memory_space<vmem>>) offsets(%dma_start3A_10 : memref<128xi32, #tpu.memory_space<vmem>>) semaphore(%arg20 : memref<!tpu.dma_semaphore, #tpu.memory_space<semaphore_mem>>)
    %dma_start3A_14 = arith.constant 0 : i32
    %dma_start3A_15 = tpu.memref_slice %arg9[%dma_start3A_14] : memref<6656xi32, #tpu.memory_space<vmem>> -> memref<128xi32, #tpu.memory_space<vmem>>
    %dma_start3A_16 = arith.constant 0 : i32
    %dma_start3A_17 = tpu.memref_slice %arg3[%dma_start3A_16] : memref<19683xi32, #tpu.memory_space<hbm>> -> memref<19683xi32, #tpu.memory_space<hbm>>
    tpu.enqueue_indirect_dma source(%dma_start3A_17 : memref<19683xi32, #tpu.memory_space<hbm>>) target(%arg14 : memref<128xi32, #tpu.memory_space<vmem>>) offsets(%dma_start3A_15 : memref<128xi32, #tpu.memory_space<vmem>>) semaphore(%arg23 : memref<!tpu.dma_semaphore, #tpu.memory_space<semaphore_mem>>)
    %dma_start3A_18 = arith.constant 128 : i32
    %dma_start3A_19 = tpu.memref_slice %arg8[%dma_start3A_18] : memref<6656xi32, #tpu.memory_space<vmem>> -> memref<128xi32, #tpu.memory_space<vmem>>
    %dma_start3A_20 = arith.constant 0 : i32
    %dma_start3A_21 = arith.constant 0 : i32
    %dma_start3A_22 = tpu.memref_slice %arg2[%dma_start3A_20, %dma_start3A_21] : memref<19683x128xi32, #tpu.memory_space<hbm>> -> memref<19683x128xi32, #tpu.memory_space<hbm>>
    tpu.enqueue_indirect_dma source(%dma_start3A_22 : memref<19683x128xi32, #tpu.memory_space<hbm>>) target(%arg12 : memref<128x128xi32, #tpu.memory_space<vmem>>) offsets(%dma_start3A_19 : memref<128xi32, #tpu.memory_space<vmem>>) semaphore(%arg21 : memref<!tpu.dma_semaphore, #tpu.memory_space<semaphore_mem>>)
    %dma_start3A_23 = arith.constant 128 : i32
    %dma_start3A_24 = tpu.memref_slice %arg9[%dma_start3A_23] : memref<6656xi32, #tpu.memory_space<vmem>> -> memref<128xi32, #tpu.memory_space<vmem>>
    %dma_start3A_25 = arith.constant 0 : i32
    %dma_start3A_26 = tpu.memref_slice %arg3[%dma_start3A_25] : memref<19683xi32, #tpu.memory_space<hbm>> -> memref<19683xi32, #tpu.memory_space<hbm>>
    tpu.enqueue_indirect_dma source(%dma_start3A_26 : memref<19683xi32, #tpu.memory_space<hbm>>) target(%arg15 : memref<128xi32, #tpu.memory_space<vmem>>) offsets(%dma_start3A_24 : memref<128xi32, #tpu.memory_space<vmem>>) semaphore(%arg24 : memref<!tpu.dma_semaphore, #tpu.memory_space<semaphore_mem>>)
    %dma_start3A_27 = arith.constant 256 : i32
    %dma_start3A_28 = tpu.memref_slice %arg8[%dma_start3A_27] : memref<6656xi32, #tpu.memory_space<vmem>> -> memref<128xi32, #tpu.memory_space<vmem>>
    %dma_start3A_29 = arith.constant 0 : i32
    %dma_start3A_30 = arith.constant 0 : i32
    %dma_start3A_31 = tpu.memref_slice %arg2[%dma_start3A_29, %dma_start3A_30] : memref<19683x128xi32, #tpu.memory_space<hbm>> -> memref<19683x128xi32, #tpu.memory_space<hbm>>
    tpu.enqueue_indirect_dma source(%dma_start3A_31 : memref<19683x128xi32, #tpu.memory_space<hbm>>) target(%arg13 : memref<128x128xi32, #tpu.memory_space<vmem>>) offsets(%dma_start3A_28 : memref<128xi32, #tpu.memory_space<vmem>>) semaphore(%arg22 : memref<!tpu.dma_semaphore, #tpu.memory_space<semaphore_mem>>)
    %dma_start3A_32 = arith.constant 256 : i32
    %dma_start3A_33 = tpu.memref_slice %arg9[%dma_start3A_32] : memref<6656xi32, #tpu.memory_space<vmem>> -> memref<128xi32, #tpu.memory_space<vmem>>
    %dma_start3A_34 = arith.constant 0 : i32
    %dma_start3A_35 = tpu.memref_slice %arg3[%dma_start3A_34] : memref<19683xi32, #tpu.memory_space<hbm>> -> memref<19683xi32, #tpu.memory_space<hbm>>
    tpu.enqueue_indirect_dma source(%dma_start3A_35 : memref<19683xi32, #tpu.memory_space<hbm>>) target(%arg16 : memref<128xi32, #tpu.memory_space<vmem>>) offsets(%dma_start3A_33 : memref<128xi32, #tpu.memory_space<vmem>>) semaphore(%arg25 : memref<!tpu.dma_semaphore, #tpu.memory_space<semaphore_mem>>)
    %scan3A = arith.constant 0 : i32
    %scan3A_36 = arith.constant 0 : i32
    %scan3A_37 = arith.constant 52 : i32
    %scan3A_38 = arith.addi %scan3A_36, %scan3A_37 : i32
    %scan3A_39 = arith.constant 1 : i32
    scf.for %scan3A_57 = %scan3A_36 to %scan3A_38 step %scan3A_39  : i32 {
      %rem3A = arith.constant 3 : i32
      %rem3A_58 = arith.remsi %scan3A_57, %rem3A : i32
      %eq3A = arith.constant 0 : i32
      %eq3A_59 = arith.cmpi eq, %rem3A_58, %eq3A : i32
      %convert_element_type3A = arith.extui %eq3A_59 : i1 to i32
      %cond3A = arith.constant 0 : i32
      %cond3A_60 = arith.cmpi ne, %convert_element_type3A, %cond3A : i32
      scf.if %cond3A_60 {
        %dma_wait3A_75 = arith.constant 0 : i32
        %dma_wait3A_76 = tpu.memref_slice %arg8[%dma_wait3A_75] : memref<6656xi32, #tpu.memory_space<vmem>> -> memref<128xi32, #tpu.memory_space<vmem>>
        %dma_wait3A_77 = arith.constant 0 : i32
        %dma_wait3A_78 = arith.constant 0 : i32
        %dma_wait3A_79 = tpu.memref_slice %arg2[%dma_wait3A_77, %dma_wait3A_78] : memref<19683x128xi32, #tpu.memory_space<hbm>> -> memref<19683x128xi32, #tpu.memory_space<hbm>>
        tpu.wait_indirect_dma semaphore(%arg20 : memref<!tpu.dma_semaphore, #tpu.memory_space<semaphore_mem>>) src(%dma_wait3A_79 : memref<19683x128xi32, #tpu.memory_space<hbm>>) dst(%arg11 : memref<128x128xi32, #tpu.memory_space<vmem>>)
        %mul3A_80 = arith.constant 128 : i32
        %mul3A_81 = arith.muli %scan3A_57, %mul3A_80 : i32
        %add3A_82 = arith.addi %mul3A_2, %mul3A_81 : i32
        %dma_start3A_83 = arith.constant 0 : i32
        %dma_start3A_84 = tpu.memref_slice %arg6[%add3A_82, %dma_start3A_83] : memref<212992x128xi32, #tpu.memory_space<hbm>> -> memref<128x128xi32, #tpu.memory_space<hbm>>
        %dma_start3A_85 = arith.constant 0 : i32
        %dma_start3A_86 = tpu.memref_slice %arg6[%add3A_82, %dma_start3A_85] : memref<212992x128xi32, #tpu.memory_space<hbm>> -> memref<128x128xi32, #tpu.memory_space<hbm>>
        tpu.enqueue_dma source(%arg11 : memref<128x128xi32, #tpu.memory_space<vmem>>) target(%dma_start3A_86 : memref<128x128xi32, #tpu.memory_space<hbm>>) target_semaphore(%arg26 : memref<!tpu.dma_semaphore, #tpu.memory_space<semaphore_mem>>)
        %dma_wait3A_87 = arith.constant 0 : i32
        %dma_wait3A_88 = tpu.memref_slice %arg8[%dma_wait3A_87] : memref<6656xi32, #tpu.memory_space<vmem>> -> memref<128xi32, #tpu.memory_space<vmem>>
        %dma_wait3A_89 = arith.constant 0 : i32
        %dma_wait3A_90 = tpu.memref_slice %arg3[%dma_wait3A_89] : memref<19683xi32, #tpu.memory_space<hbm>> -> memref<19683xi32, #tpu.memory_space<hbm>>
        tpu.wait_indirect_dma semaphore(%arg23 : memref<!tpu.dma_semaphore, #tpu.memory_space<semaphore_mem>>) src(%dma_wait3A_90 : memref<19683xi32, #tpu.memory_space<hbm>>) dst(%arg14 : memref<128xi32, #tpu.memory_space<vmem>>)
        %get3A = arith.constant 0 : index
        %get3A_91 = tpu.vector_load %arg14[%get3A] {strides = array<i32>} : memref<128xi32, #tpu.memory_space<vmem>>, vector<16xi32>,
        %get3A_92 = vector.shape_cast %get3A_91 : vector<16xi32> to vector<16xi32>
        %mul3A_93 = arith.constant 128 : i32
        %mul3A_94 = arith.muli %scan3A_57, %mul3A_93 : i32
        %add3A_95 = arith.constant 0 : i32
        %add3A_96 = arith.addi %mul3A_94, %add3A_95 : i32
        %swap3A = arith.index_cast %add3A_96 : i32 to index
        %swap3A_97 = tpu.vector_load %arg10[%swap3A] {strides = array<i32>} : memref<6656xi32, #tpu.memory_space<vmem>>, vector<16xi32>,
        %swap3A_98 = vector.shape_cast %swap3A_97 : vector<16xi32> to vector<16xi32>
        %swap3A_99 = vector.shape_cast %get3A_92 : vector<16xi32> to vector<16xi32>
        tpu.vector_store %arg10[%swap3A], %swap3A_99 {strides = array<i32>} : memref<6656xi32, #tpu.memory_space<vmem>>, vector<16xi32>,
        %get3A_100 = arith.constant 16 : index
        %get3A_101 = tpu.vector_load %arg14[%get3A_100] {strides = array<i32>} : memref<128xi32, #tpu.memory_space<vmem>>, vector<16xi32>,
        %get3A_102 = vector.shape_cast %get3A_101 : vector<16xi32> to vector<16xi32>
        %mul3A_103 = arith.constant 128 : i32
        %mul3A_104 = arith.muli %scan3A_57, %mul3A_103 : i32
        %add3A_105 = arith.constant 16 : i32
        %add3A_106 = arith.addi %mul3A_104, %add3A_105 : i32
        %swap3A_107 = arith.index_cast %add3A_106 : i32 to index
        %swap3A_108 = tpu.vector_load %arg10[%swap3A_107] {strides = array<i32>} : memref<6656xi32, #tpu.memory_space<vmem>>, vector<16xi32>,
        %swap3A_109 = vector.shape_cast %swap3A_108 : vector<16xi32> to vector<16xi32>
        %swap3A_110 = vector.shape_cast %get3A_102 : vector<16xi32> to vector<16xi32>
        tpu.vector_store %arg10[%swap3A_107], %swap3A_110 {strides = array<i32>} : memref<6656xi32, #tpu.memory_space<vmem>>, vector<16xi32>,
        %get3A_111 = arith.constant 32 : index
        %get3A_112 = tpu.vector_load %arg14[%get3A_111] {strides = array<i32>} : memref<128xi32, #tpu.memory_space<vmem>>, vector<16xi32>,
        %get3A_113 = vector.shape_cast %get3A_112 : vector<16xi32> to vector<16xi32>
        %mul3A_114 = arith.constant 128 : i32
        %mul3A_115 = arith.muli %scan3A_57, %mul3A_114 : i32
        %add3A_116 = arith.constant 32 : i32
        %add3A_117 = arith.addi %mul3A_115, %add3A_116 : i32
        %swap3A_118 = arith.index_cast %add3A_117 : i32 to index
        %swap3A_119 = tpu.vector_load %arg10[%swap3A_118] {strides = array<i32>} : memref<6656xi32, #tpu.memory_space<vmem>>, vector<16xi32>,
        %swap3A_120 = vector.shape_cast %swap3A_119 : vector<16xi32> to vector<16xi32>
        %swap3A_121 = vector.shape_cast %get3A_113 : vector<16xi32> to vector<16xi32>
        tpu.vector_store %arg10[%swap3A_118], %swap3A_121 {strides = array<i32>} : memref<6656xi32, #tpu.memory_space<vmem>>, vector<16xi32>,
        %get3A_122 = arith.constant 48 : index
        %get3A_123 = tpu.vector_load %arg14[%get3A_122] {strides = array<i32>} : memref<128xi32, #tpu.memory_space<vmem>>, vector<16xi32>,
        %get3A_124 = vector.shape_cast %get3A_123 : vector<16xi32> to vector<16xi32>
        %mul3A_125 = arith.constant 128 : i32
        %mul3A_126 = arith.muli %scan3A_57, %mul3A_125 : i32
        %add3A_127 = arith.constant 48 : i32
        %add3A_128 = arith.addi %mul3A_126, %add3A_127 : i32
        %swap3A_129 = arith.index_cast %add3A_128 : i32 to index
        %swap3A_130 = tpu.vector_load %arg10[%swap3A_129] {strides = array<i32>} : memref<6656xi32, #tpu.memory_space<vmem>>, vector<16xi32>,
        %swap3A_131 = vector.shape_cast %swap3A_130 : vector<16xi32> to vector<16xi32>
        %swap3A_132 = vector.shape_cast %get3A_124 : vector<16xi32> to vector<16xi32>
        tpu.vector_store %arg10[%swap3A_129], %swap3A_132 {strides = array<i32>} : memref<6656xi32, #tpu.memory_space<vmem>>, vector<16xi32>,
        %get3A_133 = arith.constant 64 : index
        %get3A_134 = tpu.vector_load %arg14[%get3A_133] {strides = array<i32>} : memref<128xi32, #tpu.memory_space<vmem>>, vector<16xi32>,
        %get3A_135 = vector.shape_cast %get3A_134 : vector<16xi32> to vector<16xi32>
        %mul3A_136 = arith.constant 128 : i32
        %mul3A_137 = arith.muli %scan3A_57, %mul3A_136 : i32
        %add3A_138 = arith.constant 64 : i32
        %add3A_139 = arith.addi %mul3A_137, %add3A_138 : i32
        %swap3A_140 = arith.index_cast %add3A_139 : i32 to index
        %swap3A_141 = tpu.vector_load %arg10[%swap3A_140] {strides = array<i32>} : memref<6656xi32, #tpu.memory_space<vmem>>, vector<16xi32>,
        %swap3A_142 = vector.shape_cast %swap3A_141 : vector<16xi32> to vector<16xi32>
        %swap3A_143 = vector.shape_cast %get3A_135 : vector<16xi32> to vector<16xi32>
        tpu.vector_store %arg10[%swap3A_140], %swap3A_143 {strides = array<i32>} : memref<6656xi32, #tpu.memory_space<vmem>>, vector<16xi32>,
        %get3A_144 = arith.constant 80 : index
        %get3A_145 = tpu.vector_load %arg14[%get3A_144] {strides = array<i32>} : memref<128xi32, #tpu.memory_space<vmem>>, vector<16xi32>,
        %get3A_146 = vector.shape_cast %get3A_145 : vector<16xi32> to vector<16xi32>
        %mul3A_147 = arith.constant 128 : i32
        %mul3A_148 = arith.muli %scan3A_57, %mul3A_147 : i32
        %add3A_149 = arith.constant 80 : i32
        %add3A_150 = arith.addi %mul3A_148, %add3A_149 : i32
        %swap3A_151 = arith.index_cast %add3A_150 : i32 to index
        %swap3A_152 = tpu.vector_load %arg10[%swap3A_151] {strides = array<i32>} : memref<6656xi32, #tpu.memory_space<vmem>>, vector<16xi32>,
        %swap3A_153 = vector.shape_cast %swap3A_152 : vector<16xi32> to vector<16xi32>
        %swap3A_154 = vector.shape_cast %get3A_146 : vector<16xi32> to vector<16xi32>
        tpu.vector_store %arg10[%swap3A_151], %swap3A_154 {strides = array<i32>} : memref<6656xi32, #tpu.memory_space<vmem>>, vector<16xi32>,
        %get3A_155 = arith.constant 96 : index
        %get3A_156 = tpu.vector_load %arg14[%get3A_155] {strides = array<i32>} : memref<128xi32, #tpu.memory_space<vmem>>, vector<16xi32>,
        %get3A_157 = vector.shape_cast %get3A_156 : vector<16xi32> to vector<16xi32>
        %mul3A_158 = arith.constant 128 : i32
        %mul3A_159 = arith.muli %scan3A_57, %mul3A_158 : i32
        %add3A_160 = arith.constant 96 : i32
        %add3A_161 = arith.addi %mul3A_159, %add3A_160 : i32
        %swap3A_162 = arith.index_cast %add3A_161 : i32 to index
        %swap3A_163 = tpu.vector_load %arg10[%swap3A_162] {strides = array<i32>} : memref<6656xi32, #tpu.memory_space<vmem>>, vector<16xi32>,
        %swap3A_164 = vector.shape_cast %swap3A_163 : vector<16xi32> to vector<16xi32>
        %swap3A_165 = vector.shape_cast %get3A_157 : vector<16xi32> to vector<16xi32>
        tpu.vector_store %arg10[%swap3A_162], %swap3A_165 {strides = array<i32>} : memref<6656xi32, #tpu.memory_space<vmem>>, vector<16xi32>,
        %get3A_166 = arith.constant 112 : index
        %get3A_167 = tpu.vector_load %arg14[%get3A_166] {strides = array<i32>} : memref<128xi32, #tpu.memory_space<vmem>>, vector<16xi32>,
        %get3A_168 = vector.shape_cast %get3A_167 : vector<16xi32> to vector<16xi32>
        %mul3A_169 = arith.constant 128 : i32
        %mul3A_170 = arith.muli %scan3A_57, %mul3A_169 : i32
        %add3A_171 = arith.constant 112 : i32
        %add3A_172 = arith.addi %mul3A_170, %add3A_171 : i32
        %swap3A_173 = arith.index_cast %add3A_172 : i32 to index
        %swap3A_174 = tpu.vector_load %arg10[%swap3A_173] {strides = array<i32>} : memref<6656xi32, #tpu.memory_space<vmem>>, vector<16xi32>,
        %swap3A_175 = vector.shape_cast %swap3A_174 : vector<16xi32> to vector<16xi32>
        %swap3A_176 = vector.shape_cast %get3A_168 : vector<16xi32> to vector<16xi32>
        tpu.vector_store %arg10[%swap3A_173], %swap3A_176 {strides = array<i32>} : memref<6656xi32, #tpu.memory_space<vmem>>, vector<16xi32>,
        %add3A_177 = arith.constant 3 : i32
        %add3A_178 = arith.addi %scan3A_57, %add3A_177 : i32
        %lt3A = arith.constant 52 : i32
        %lt3A_179 = arith.cmpi slt, %add3A_178, %lt3A : i32
        %convert_element_type3A_180 = arith.extui %lt3A_179 : i1 to i32
        %cond3A_181 = arith.constant 0 : i32
        %cond3A_182 = arith.cmpi ne, %convert_element_type3A_180, %cond3A_181 : i32
        scf.if %cond3A_182 {
          %dma_wait3A_183 = arith.constant 0 : i32
          %dma_wait3A_184 = tpu.memref_slice %arg6[%mul3A_2, %dma_wait3A_183] : memref<212992x128xi32, #tpu.memory_space<hbm>> -> memref<128x128xi32, #tpu.memory_space<hbm>>
          %dma_wait3A_185 = arith.constant 0 : i32
          %dma_wait3A_186 = tpu.memref_slice %arg6[%mul3A_2, %dma_wait3A_185] : memref<212992x128xi32, #tpu.memory_space<hbm>> -> memref<128x128xi32, #tpu.memory_space<hbm>>
          tpu.wait_dma2 semaphore(%arg26 : memref<!tpu.dma_semaphore, #tpu.memory_space<semaphore_mem>>) src(%arg11 : memref<128x128xi32, #tpu.memory_space<vmem>>) dst(%dma_wait3A_186 : memref<128x128xi32, #tpu.memory_space<hbm>>)
          %add3A_187 = arith.constant 3 : i32
          %add3A_188 = arith.addi %scan3A_57, %add3A_187 : i32
          %mul3A_189 = arith.constant 128 : i32
          %mul3A_190 = arith.muli %add3A_188, %mul3A_189 : i32
          %mul3A_191 = arith.constant 128 : i32
          %mul3A_192 = arith.muli %add3A_188, %mul3A_191 : i32
          %dma_start3A_193 = tpu.memref_slice %arg8[%mul3A_190] : memref<6656xi32, #tpu.memory_space<vmem>> -> memref<128xi32, #tpu.memory_space<vmem>>
          %dma_start3A_194 = arith.constant 0 : i32
          %dma_start3A_195 = arith.constant 0 : i32
          %dma_start3A_196 = tpu.memref_slice %arg2[%dma_start3A_194, %dma_start3A_195] : memref<19683x128xi32, #tpu.memory_space<hbm>> -> memref<19683x128xi32, #tpu.memory_space<hbm>>
          tpu.enqueue_indirect_dma source(%dma_start3A_196 : memref<19683x128xi32, #tpu.memory_space<hbm>>) target(%arg11 : memref<128x128xi32, #tpu.memory_space<vmem>>) offsets(%dma_start3A_193 : memref<128xi32, #tpu.memory_space<vmem>>) semaphore(%arg20 : memref<!tpu.dma_semaphore, #tpu.memory_space<semaphore_mem>>)
          %dma_start3A_197 = tpu.memref_slice %arg9[%mul3A_192] : memref<6656xi32, #tpu.memory_space<vmem>> -> memref<128xi32, #tpu.memory_space<vmem>>
          %dma_start3A_198 = arith.constant 0 : i32
          %dma_start3A_199 = tpu.memref_slice %arg3[%dma_start3A_198] : memref<19683xi32, #tpu.memory_space<hbm>> -> memref<19683xi32, #tpu.memory_space<hbm>>
          tpu.enqueue_indirect_dma source(%dma_start3A_199 : memref<19683xi32, #tpu.memory_space<hbm>>) target(%arg14 : memref<128xi32, #tpu.memory_space<vmem>>) offsets(%dma_start3A_197 : memref<128xi32, #tpu.memory_space<vmem>>) semaphore(%arg23 : memref<!tpu.dma_semaphore, #tpu.memory_space<semaphore_mem>>)
        } else {
        }
      } else {
      }
      %rem3A_61 = arith.constant 3 : i32
      %rem3A_62 = arith.remsi %scan3A_57, %rem3A_61 : i32
      %eq3A_63 = arith.constant 1 : i32
      %eq3A_64 = arith.cmpi eq, %rem3A_62, %eq3A_63 : i32
      %convert_element_type3A_65 = arith.extui %eq3A_64 : i1 to i32
      %cond3A_66 = arith.constant 0 : i32
      %cond3A_67 = arith.cmpi ne, %convert_element_type3A_65, %cond3A_66 : i32
      scf.if %cond3A_67 {
        %dma_wait3A_75 = arith.constant 0 : i32
        %dma_wait3A_76 = tpu.memref_slice %arg8[%dma_wait3A_75] : memref<6656xi32, #tpu.memory_space<vmem>> -> memref<128xi32, #tpu.memory_space<vmem>>
        %dma_wait3A_77 = arith.constant 0 : i32
        %dma_wait3A_78 = arith.constant 0 : i32
        %dma_wait3A_79 = tpu.memref_slice %arg2[%dma_wait3A_77, %dma_wait3A_78] : memref<19683x128xi32, #tpu.memory_space<hbm>> -> memref<19683x128xi32, #tpu.memory_space<hbm>>
        tpu.wait_indirect_dma semaphore(%arg21 : memref<!tpu.dma_semaphore, #tpu.memory_space<semaphore_mem>>) src(%dma_wait3A_79 : memref<19683x128xi32, #tpu.memory_space<hbm>>) dst(%arg12 : memref<128x128xi32, #tpu.memory_space<vmem>>)
        %mul3A_80 = arith.constant 128 : i32
        %mul3A_81 = arith.muli %scan3A_57, %mul3A_80 : i32
        %add3A_82 = arith.addi %mul3A_2, %mul3A_81 : i32
        %dma_start3A_83 = arith.constant 0 : i32
        %dma_start3A_84 = tpu.memref_slice %arg6[%add3A_82, %dma_start3A_83] : memref<212992x128xi32, #tpu.memory_space<hbm>> -> memref<128x128xi32, #tpu.memory_space<hbm>>
        %dma_start3A_85 = arith.constant 0 : i32
        %dma_start3A_86 = tpu.memref_slice %arg6[%add3A_82, %dma_start3A_85] : memref<212992x128xi32, #tpu.memory_space<hbm>> -> memref<128x128xi32, #tpu.memory_space<hbm>>
        tpu.enqueue_dma source(%arg12 : memref<128x128xi32, #tpu.memory_space<vmem>>) target(%dma_start3A_86 : memref<128x128xi32, #tpu.memory_space<hbm>>) target_semaphore(%arg27 : memref<!tpu.dma_semaphore, #tpu.memory_space<semaphore_mem>>)
        %dma_wait3A_87 = arith.constant 0 : i32
        %dma_wait3A_88 = tpu.memref_slice %arg8[%dma_wait3A_87] : memref<6656xi32, #tpu.memory_space<vmem>> -> memref<128xi32, #tpu.memory_space<vmem>>
        %dma_wait3A_89 = arith.constant 0 : i32
        %dma_wait3A_90 = tpu.memref_slice %arg3[%dma_wait3A_89] : memref<19683xi32, #tpu.memory_space<hbm>> -> memref<19683xi32, #tpu.memory_space<hbm>>
        tpu.wait_indirect_dma semaphore(%arg24 : memref<!tpu.dma_semaphore, #tpu.memory_space<semaphore_mem>>) src(%dma_wait3A_90 : memref<19683xi32, #tpu.memory_space<hbm>>) dst(%arg15 : memref<128xi32, #tpu.memory_space<vmem>>)
        %get3A = arith.constant 0 : index
        %get3A_91 = tpu.vector_load %arg15[%get3A] {strides = array<i32>} : memref<128xi32, #tpu.memory_space<vmem>>, vector<16xi32>,
        %get3A_92 = vector.shape_cast %get3A_91 : vector<16xi32> to vector<16xi32>
        %mul3A_93 = arith.constant 128 : i32
        %mul3A_94 = arith.muli %scan3A_57, %mul3A_93 : i32
        %add3A_95 = arith.constant 0 : i32
        %add3A_96 = arith.addi %mul3A_94, %add3A_95 : i32
        %swap3A = arith.index_cast %add3A_96 : i32 to index
        %swap3A_97 = tpu.vector_load %arg10[%swap3A] {strides = array<i32>} : memref<6656xi32, #tpu.memory_space<vmem>>, vector<16xi32>,
        %swap3A_98 = vector.shape_cast %swap3A_97 : vector<16xi32> to vector<16xi32>
        %swap3A_99 = vector.shape_cast %get3A_92 : vector<16xi32> to vector<16xi32>
        tpu.vector_store %arg10[%swap3A], %swap3A_99 {strides = array<i32>} : memref<6656xi32, #tpu.memory_space<vmem>>, vector<16xi32>,
        %get3A_100 = arith.constant 16 : index
        %get3A_101 = tpu.vector_load %arg15[%get3A_100] {strides = array<i32>} : memref<128xi32, #tpu.memory_space<vmem>>, vector<16xi32>,
        %get3A_102 = vector.shape_cast %get3A_101 : vector<16xi32> to vector<16xi32>
        %mul3A_103 = arith.constant 128 : i32
        %mul3A_104 = arith.muli %scan3A_57, %mul3A_103 : i32
        %add3A_105 = arith.constant 16 : i32
        %add3A_106 = arith.addi %mul3A_104, %add3A_105 : i32
        %swap3A_107 = arith.index_cast %add3A_106 : i32 to index
        %swap3A_108 = tpu.vector_load %arg10[%swap3A_107] {strides = array<i32>} : memref<6656xi32, #tpu.memory_space<vmem>>, vector<16xi32>,
        %swap3A_109 = vector.shape_cast %swap3A_108 : vector<16xi32> to vector<16xi32>
        %swap3A_110 = vector.shape_cast %get3A_102 : vector<16xi32> to vector<16xi32>
        tpu.vector_store %arg10[%swap3A_107], %swap3A_110 {strides = array<i32>} : memref<6656xi32, #tpu.memory_space<vmem>>, vector<16xi32>,
        %get3A_111 = arith.constant 32 : index
        %get3A_112 = tpu.vector_load %arg15[%get3A_111] {strides = array<i32>} : memref<128xi32, #tpu.memory_space<vmem>>, vector<16xi32>,
        %get3A_113 = vector.shape_cast %get3A_112 : vector<16xi32> to vector<16xi32>
        %mul3A_114 = arith.constant 128 : i32
        %mul3A_115 = arith.muli %scan3A_57, %mul3A_114 : i32
        %add3A_116 = arith.constant 32 : i32
        %add3A_117 = arith.addi %mul3A_115, %add3A_116 : i32
        %swap3A_118 = arith.index_cast %add3A_117 : i32 to index
        %swap3A_119 = tpu.vector_load %arg10[%swap3A_118] {strides = array<i32>} : memref<6656xi32, #tpu.memory_space<vmem>>, vector<16xi32>,
        %swap3A_120 = vector.shape_cast %swap3A_119 : vector<16xi32> to vector<16xi32>
        %swap3A_121 = vector.shape_cast %get3A_113 : vector<16xi32> to vector<16xi32>
        tpu.vector_store %arg10[%swap3A_118], %swap3A_121 {strides = array<i32>} : memref<6656xi32, #tpu.memory_space<vmem>>, vector<16xi32>,
        %get3A_122 = arith.constant 48 : index
        %get3A_123 = tpu.vector_load %arg15[%get3A_122] {strides = array<i32>} : memref<128xi32, #tpu.memory_space<vmem>>, vector<16xi32>,
        %get3A_124 = vector.shape_cast %get3A_123 : vector<16xi32> to vector<16xi32>
        %mul3A_125 = arith.constant 128 : i32
        %mul3A_126 = arith.muli %scan3A_57, %mul3A_125 : i32
        %add3A_127 = arith.constant 48 : i32
        %add3A_128 = arith.addi %mul3A_126, %add3A_127 : i32
        %swap3A_129 = arith.index_cast %add3A_128 : i32 to index
        %swap3A_130 = tpu.vector_load %arg10[%swap3A_129] {strides = array<i32>} : memref<6656xi32, #tpu.memory_space<vmem>>, vector<16xi32>,
        %swap3A_131 = vector.shape_cast %swap3A_130 : vector<16xi32> to vector<16xi32>
        %swap3A_132 = vector.shape_cast %get3A_124 : vector<16xi32> to vector<16xi32>
        tpu.vector_store %arg10[%swap3A_129], %swap3A_132 {strides = array<i32>} : memref<6656xi32, #tpu.memory_space<vmem>>, vector<16xi32>,
        %get3A_133 = arith.constant 64 : index
        %get3A_134 = tpu.vector_load %arg15[%get3A_133] {strides = array<i32>} : memref<128xi32, #tpu.memory_space<vmem>>, vector<16xi32>,
        %get3A_135 = vector.shape_cast %get3A_134 : vector<16xi32> to vector<16xi32>
        %mul3A_136 = arith.constant 128 : i32
        %mul3A_137 = arith.muli %scan3A_57, %mul3A_136 : i32
        %add3A_138 = arith.constant 64 : i32
        %add3A_139 = arith.addi %mul3A_137, %add3A_138 : i32
        %swap3A_140 = arith.index_cast %add3A_139 : i32 to index
        %swap3A_141 = tpu.vector_load %arg10[%swap3A_140] {strides = array<i32>} : memref<6656xi32, #tpu.memory_space<vmem>>, vector<16xi32>,
        %swap3A_142 = vector.shape_cast %swap3A_141 : vector<16xi32> to vector<16xi32>
        %swap3A_143 = vector.shape_cast %get3A_135 : vector<16xi32> to vector<16xi32>
        tpu.vector_store %arg10[%swap3A_140], %swap3A_143 {strides = array<i32>} : memref<6656xi32, #tpu.memory_space<vmem>>, vector<16xi32>,
        %get3A_144 = arith.constant 80 : index
        %get3A_145 = tpu.vector_load %arg15[%get3A_144] {strides = array<i32>} : memref<128xi32, #tpu.memory_space<vmem>>, vector<16xi32>,
        %get3A_146 = vector.shape_cast %get3A_145 : vector<16xi32> to vector<16xi32>
        %mul3A_147 = arith.constant 128 : i32
        %mul3A_148 = arith.muli %scan3A_57, %mul3A_147 : i32
        %add3A_149 = arith.constant 80 : i32
        %add3A_150 = arith.addi %mul3A_148, %add3A_149 : i32
        %swap3A_151 = arith.index_cast %add3A_150 : i32 to index
        %swap3A_152 = tpu.vector_load %arg10[%swap3A_151] {strides = array<i32>} : memref<6656xi32, #tpu.memory_space<vmem>>, vector<16xi32>,
        %swap3A_153 = vector.shape_cast %swap3A_152 : vector<16xi32> to vector<16xi32>
        %swap3A_154 = vector.shape_cast %get3A_146 : vector<16xi32> to vector<16xi32>
        tpu.vector_store %arg10[%swap3A_151], %swap3A_154 {strides = array<i32>} : memref<6656xi32, #tpu.memory_space<vmem>>, vector<16xi32>,
        %get3A_155 = arith.constant 96 : index
        %get3A_156 = tpu.vector_load %arg15[%get3A_155] {strides = array<i32>} : memref<128xi32, #tpu.memory_space<vmem>>, vector<16xi32>,
        %get3A_157 = vector.shape_cast %get3A_156 : vector<16xi32> to vector<16xi32>
        %mul3A_158 = arith.constant 128 : i32
        %mul3A_159 = arith.muli %scan3A_57, %mul3A_158 : i32
        %add3A_160 = arith.constant 96 : i32
        %add3A_161 = arith.addi %mul3A_159, %add3A_160 : i32
        %swap3A_162 = arith.index_cast %add3A_161 : i32 to index
        %swap3A_163 = tpu.vector_load %arg10[%swap3A_162] {strides = array<i32>} : memref<6656xi32, #tpu.memory_space<vmem>>, vector<16xi32>,
        %swap3A_164 = vector.shape_cast %swap3A_163 : vector<16xi32> to vector<16xi32>
        %swap3A_165 = vector.shape_cast %get3A_157 : vector<16xi32> to vector<16xi32>
        tpu.vector_store %arg10[%swap3A_162], %swap3A_165 {strides = array<i32>} : memref<6656xi32, #tpu.memory_space<vmem>>, vector<16xi32>,
        %get3A_166 = arith.constant 112 : index
        %get3A_167 = tpu.vector_load %arg15[%get3A_166] {strides = array<i32>} : memref<128xi32, #tpu.memory_space<vmem>>, vector<16xi32>,
        %get3A_168 = vector.shape_cast %get3A_167 : vector<16xi32> to vector<16xi32>
        %mul3A_169 = arith.constant 128 : i32
        %mul3A_170 = arith.muli %scan3A_57, %mul3A_169 : i32
        %add3A_171 = arith.constant 112 : i32
        %add3A_172 = arith.addi %mul3A_170, %add3A_171 : i32
        %swap3A_173 = arith.index_cast %add3A_172 : i32 to index
        %swap3A_174 = tpu.vector_load %arg10[%swap3A_173] {strides = array<i32>} : memref<6656xi32, #tpu.memory_space<vmem>>, vector<16xi32>,
        %swap3A_175 = vector.shape_cast %swap3A_174 : vector<16xi32> to vector<16xi32>
        %swap3A_176 = vector.shape_cast %get3A_168 : vector<16xi32> to vector<16xi32>
        tpu.vector_store %arg10[%swap3A_173], %swap3A_176 {strides = array<i32>} : memref<6656xi32, #tpu.memory_space<vmem>>, vector<16xi32>,
        %add3A_177 = arith.constant 3 : i32
        %add3A_178 = arith.addi %scan3A_57, %add3A_177 : i32
        %lt3A = arith.constant 52 : i32
        %lt3A_179 = arith.cmpi slt, %add3A_178, %lt3A : i32
        %convert_element_type3A_180 = arith.extui %lt3A_179 : i1 to i32
        %cond3A_181 = arith.constant 0 : i32
        %cond3A_182 = arith.cmpi ne, %convert_element_type3A_180, %cond3A_181 : i32
        scf.if %cond3A_182 {
          %dma_wait3A_183 = arith.constant 0 : i32
          %dma_wait3A_184 = tpu.memref_slice %arg6[%mul3A_2, %dma_wait3A_183] : memref<212992x128xi32, #tpu.memory_space<hbm>> -> memref<128x128xi32, #tpu.memory_space<hbm>>
          %dma_wait3A_185 = arith.constant 0 : i32
          %dma_wait3A_186 = tpu.memref_slice %arg6[%mul3A_2, %dma_wait3A_185] : memref<212992x128xi32, #tpu.memory_space<hbm>> -> memref<128x128xi32, #tpu.memory_space<hbm>>
          tpu.wait_dma2 semaphore(%arg27 : memref<!tpu.dma_semaphore, #tpu.memory_space<semaphore_mem>>) src(%arg12 : memref<128x128xi32, #tpu.memory_space<vmem>>) dst(%dma_wait3A_186 : memref<128x128xi32, #tpu.memory_space<hbm>>)
          %add3A_187 = arith.constant 3 : i32
          %add3A_188 = arith.addi %scan3A_57, %add3A_187 : i32
          %mul3A_189 = arith.constant 128 : i32
          %mul3A_190 = arith.muli %add3A_188, %mul3A_189 : i32
          %mul3A_191 = arith.constant 128 : i32
          %mul3A_192 = arith.muli %add3A_188, %mul3A_191 : i32
          %dma_start3A_193 = tpu.memref_slice %arg8[%mul3A_190] : memref<6656xi32, #tpu.memory_space<vmem>> -> memref<128xi32, #tpu.memory_space<vmem>>
          %dma_start3A_194 = arith.constant 0 : i32
          %dma_start3A_195 = arith.constant 0 : i32
          %dma_start3A_196 = tpu.memref_slice %arg2[%dma_start3A_194, %dma_start3A_195] : memref<19683x128xi32, #tpu.memory_space<hbm>> -> memref<19683x128xi32, #tpu.memory_space<hbm>>
          tpu.enqueue_indirect_dma source(%dma_start3A_196 : memref<19683x128xi32, #tpu.memory_space<hbm>>) target(%arg12 : memref<128x128xi32, #tpu.memory_space<vmem>>) offsets(%dma_start3A_193 : memref<128xi32, #tpu.memory_space<vmem>>) semaphore(%arg21 : memref<!tpu.dma_semaphore, #tpu.memory_space<semaphore_mem>>)
          %dma_start3A_197 = tpu.memref_slice %arg9[%mul3A_192] : memref<6656xi32, #tpu.memory_space<vmem>> -> memref<128xi32, #tpu.memory_space<vmem>>
          %dma_start3A_198 = arith.constant 0 : i32
          %dma_start3A_199 = tpu.memref_slice %arg3[%dma_start3A_198] : memref<19683xi32, #tpu.memory_space<hbm>> -> memref<19683xi32, #tpu.memory_space<hbm>>
          tpu.enqueue_indirect_dma source(%dma_start3A_199 : memref<19683xi32, #tpu.memory_space<hbm>>) target(%arg15 : memref<128xi32, #tpu.memory_space<vmem>>) offsets(%dma_start3A_197 : memref<128xi32, #tpu.memory_space<vmem>>) semaphore(%arg24 : memref<!tpu.dma_semaphore, #tpu.memory_space<semaphore_mem>>)
        } else {
        }
      } else {
      }
      %rem3A_68 = arith.constant 3 : i32
      %rem3A_69 = arith.remsi %scan3A_57, %rem3A_68 : i32
      %eq3A_70 = arith.constant 2 : i32
      %eq3A_71 = arith.cmpi eq, %rem3A_69, %eq3A_70 : i32
      %convert_element_type3A_72 = arith.extui %eq3A_71 : i1 to i32
      %cond3A_73 = arith.constant 0 : i32
      %cond3A_74 = arith.cmpi ne, %convert_element_type3A_72, %cond3A_73 : i32
      scf.if %cond3A_74 {
        %dma_wait3A_75 = arith.constant 0 : i32
        %dma_wait3A_76 = tpu.memref_slice %arg8[%dma_wait3A_75] : memref<6656xi32, #tpu.memory_space<vmem>> -> memref<128xi32, #tpu.memory_space<vmem>>
        %dma_wait3A_77 = arith.constant 0 : i32
        %dma_wait3A_78 = arith.constant 0 : i32
        %dma_wait3A_79 = tpu.memref_slice %arg2[%dma_wait3A_77, %dma_wait3A_78] : memref<19683x128xi32, #tpu.memory_space<hbm>> -> memref<19683x128xi32, #tpu.memory_space<hbm>>
        tpu.wait_indirect_dma semaphore(%arg22 : memref<!tpu.dma_semaphore, #tpu.memory_space<semaphore_mem>>) src(%dma_wait3A_79 : memref<19683x128xi32, #tpu.memory_space<hbm>>) dst(%arg13 : memref<128x128xi32, #tpu.memory_space<vmem>>)
        %mul3A_80 = arith.constant 128 : i32
        %mul3A_81 = arith.muli %scan3A_57, %mul3A_80 : i32
        %add3A_82 = arith.addi %mul3A_2, %mul3A_81 : i32
        %dma_start3A_83 = arith.constant 0 : i32
        %dma_start3A_84 = tpu.memref_slice %arg6[%add3A_82, %dma_start3A_83] : memref<212992x128xi32, #tpu.memory_space<hbm>> -> memref<128x128xi32, #tpu.memory_space<hbm>>
        %dma_start3A_85 = arith.constant 0 : i32
        %dma_start3A_86 = tpu.memref_slice %arg6[%add3A_82, %dma_start3A_85] : memref<212992x128xi32, #tpu.memory_space<hbm>> -> memref<128x128xi32, #tpu.memory_space<hbm>>
        tpu.enqueue_dma source(%arg13 : memref<128x128xi32, #tpu.memory_space<vmem>>) target(%dma_start3A_86 : memref<128x128xi32, #tpu.memory_space<hbm>>) target_semaphore(%arg28 : memref<!tpu.dma_semaphore, #tpu.memory_space<semaphore_mem>>)
        %dma_wait3A_87 = arith.constant 0 : i32
        %dma_wait3A_88 = tpu.memref_slice %arg8[%dma_wait3A_87] : memref<6656xi32, #tpu.memory_space<vmem>> -> memref<128xi32, #tpu.memory_space<vmem>>
        %dma_wait3A_89 = arith.constant 0 : i32
        %dma_wait3A_90 = tpu.memref_slice %arg3[%dma_wait3A_89] : memref<19683xi32, #tpu.memory_space<hbm>> -> memref<19683xi32, #tpu.memory_space<hbm>>
        tpu.wait_indirect_dma semaphore(%arg25 : memref<!tpu.dma_semaphore, #tpu.memory_space<semaphore_mem>>) src(%dma_wait3A_90 : memref<19683xi32, #tpu.memory_space<hbm>>) dst(%arg16 : memref<128xi32, #tpu.memory_space<vmem>>)
        %get3A = arith.constant 0 : index
        %get3A_91 = tpu.vector_load %arg16[%get3A] {strides = array<i32>} : memref<128xi32, #tpu.memory_space<vmem>>, vector<16xi32>,
        %get3A_92 = vector.shape_cast %get3A_91 : vector<16xi32> to vector<16xi32>
        %mul3A_93 = arith.constant 128 : i32
        %mul3A_94 = arith.muli %scan3A_57, %mul3A_93 : i32
        %add3A_95 = arith.constant 0 : i32
        %add3A_96 = arith.addi %mul3A_94, %add3A_95 : i32
        %swap3A = arith.index_cast %add3A_96 : i32 to index
        %swap3A_97 = tpu.vector_load %arg10[%swap3A] {strides = array<i32>} : memref<6656xi32, #tpu.memory_space<vmem>>, vector<16xi32>,
        %swap3A_98 = vector.shape_cast %swap3A_97 : vector<16xi32> to vector<16xi32>
        %swap3A_99 = vector.shape_cast %get3A_92 : vector<16xi32> to vector<16xi32>
        tpu.vector_store %arg10[%swap3A], %swap3A_99 {strides = array<i32>} : memref<6656xi32, #tpu.memory_space<vmem>>, vector<16xi32>,
        %get3A_100 = arith.constant 16 : index
        %get3A_101 = tpu.vector_load %arg16[%get3A_100] {strides = array<i32>} : memref<128xi32, #tpu.memory_space<vmem>>, vector<16xi32>,
        %get3A_102 = vector.shape_cast %get3A_101 : vector<16xi32> to vector<16xi32>
        %mul3A_103 = arith.constant 128 : i32
        %mul3A_104 = arith.muli %scan3A_57, %mul3A_103 : i32
        %add3A_105 = arith.constant 16 : i32
        %add3A_106 = arith.addi %mul3A_104, %add3A_105 : i32
        %swap3A_107 = arith.index_cast %add3A_106 : i32 to index
        %swap3A_108 = tpu.vector_load %arg10[%swap3A_107] {strides = array<i32>} : memref<6656xi32, #tpu.memory_space<vmem>>, vector<16xi32>,
        %swap3A_109 = vector.shape_cast %swap3A_108 : vector<16xi32> to vector<16xi32>
        %swap3A_110 = vector.shape_cast %get3A_102 : vector<16xi32> to vector<16xi32>
        tpu.vector_store %arg10[%swap3A_107], %swap3A_110 {strides = array<i32>} : memref<6656xi32, #tpu.memory_space<vmem>>, vector<16xi32>,
        %get3A_111 = arith.constant 32 : index
        %get3A_112 = tpu.vector_load %arg16[%get3A_111] {strides = array<i32>} : memref<128xi32, #tpu.memory_space<vmem>>, vector<16xi32>,
        %get3A_113 = vector.shape_cast %get3A_112 : vector<16xi32> to vector<16xi32>
        %mul3A_114 = arith.constant 128 : i32
        %mul3A_115 = arith.muli %scan3A_57, %mul3A_114 : i32
        %add3A_116 = arith.constant 32 : i32
        %add3A_117 = arith.addi %mul3A_115, %add3A_116 : i32
        %swap3A_118 = arith.index_cast %add3A_117 : i32 to index
        %swap3A_119 = tpu.vector_load %arg10[%swap3A_118] {strides = array<i32>} : memref<6656xi32, #tpu.memory_space<vmem>>, vector<16xi32>,
        %swap3A_120 = vector.shape_cast %swap3A_119 : vector<16xi32> to vector<16xi32>
        %swap3A_121 = vector.shape_cast %get3A_113 : vector<16xi32> to vector<16xi32>
        tpu.vector_store %arg10[%swap3A_118], %swap3A_121 {strides = array<i32>} : memref<6656xi32, #tpu.memory_space<vmem>>, vector<16xi32>,
        %get3A_122 = arith.constant 48 : index
        %get3A_123 = tpu.vector_load %arg16[%get3A_122] {strides = array<i32>} : memref<128xi32, #tpu.memory_space<vmem>>, vector<16xi32>,
        %get3A_124 = vector.shape_cast %get3A_123 : vector<16xi32> to vector<16xi32>
        %mul3A_125 = arith.constant 128 : i32
        %mul3A_126 = arith.muli %scan3A_57, %mul3A_125 : i32
        %add3A_127 = arith.constant 48 : i32
        %add3A_128 = arith.addi %mul3A_126, %add3A_127 : i32
        %swap3A_129 = arith.index_cast %add3A_128 : i32 to index
        %swap3A_130 = tpu.vector_load %arg10[%swap3A_129] {strides = array<i32>} : memref<6656xi32, #tpu.memory_space<vmem>>, vector<16xi32>,
        %swap3A_131 = vector.shape_cast %swap3A_130 : vector<16xi32> to vector<16xi32>
        %swap3A_132 = vector.shape_cast %get3A_124 : vector<16xi32> to vector<16xi32>
        tpu.vector_store %arg10[%swap3A_129], %swap3A_132 {strides = array<i32>} : memref<6656xi32, #tpu.memory_space<vmem>>, vector<16xi32>,
        %get3A_133 = arith.constant 64 : index
        %get3A_134 = tpu.vector_load %arg16[%get3A_133] {strides = array<i32>} : memref<128xi32, #tpu.memory_space<vmem>>, vector<16xi32>,
        %get3A_135 = vector.shape_cast %get3A_134 : vector<16xi32> to vector<16xi32>
        %mul3A_136 = arith.constant 128 : i32
        %mul3A_137 = arith.muli %scan3A_57, %mul3A_136 : i32
        %add3A_138 = arith.constant 64 : i32
        %add3A_139 = arith.addi %mul3A_137, %add3A_138 : i32
        %swap3A_140 = arith.index_cast %add3A_139 : i32 to index
        %swap3A_141 = tpu.vector_load %arg10[%swap3A_140] {strides = array<i32>} : memref<6656xi32, #tpu.memory_space<vmem>>, vector<16xi32>,
        %swap3A_142 = vector.shape_cast %swap3A_141 : vector<16xi32> to vector<16xi32>
        %swap3A_143 = vector.shape_cast %get3A_135 : vector<16xi32> to vector<16xi32>
        tpu.vector_store %arg10[%swap3A_140], %swap3A_143 {strides = array<i32>} : memref<6656xi32, #tpu.memory_space<vmem>>, vector<16xi32>,
        %get3A_144 = arith.constant 80 : index
        %get3A_145 = tpu.vector_load %arg16[%get3A_144] {strides = array<i32>} : memref<128xi32, #tpu.memory_space<vmem>>, vector<16xi32>,
        %get3A_146 = vector.shape_cast %get3A_145 : vector<16xi32> to vector<16xi32>
        %mul3A_147 = arith.constant 128 : i32
        %mul3A_148 = arith.muli %scan3A_57, %mul3A_147 : i32
        %add3A_149 = arith.constant 80 : i32
        %add3A_150 = arith.addi %mul3A_148, %add3A_149 : i32
        %swap3A_151 = arith.index_cast %add3A_150 : i32 to index
        %swap3A_152 = tpu.vector_load %arg10[%swap3A_151] {strides = array<i32>} : memref<6656xi32, #tpu.memory_space<vmem>>, vector<16xi32>,
        %swap3A_153 = vector.shape_cast %swap3A_152 : vector<16xi32> to vector<16xi32>
        %swap3A_154 = vector.shape_cast %get3A_146 : vector<16xi32> to vector<16xi32>
        tpu.vector_store %arg10[%swap3A_151], %swap3A_154 {strides = array<i32>} : memref<6656xi32, #tpu.memory_space<vmem>>, vector<16xi32>,
        %get3A_155 = arith.constant 96 : index
        %get3A_156 = tpu.vector_load %arg16[%get3A_155] {strides = array<i32>} : memref<128xi32, #tpu.memory_space<vmem>>, vector<16xi32>,
        %get3A_157 = vector.shape_cast %get3A_156 : vector<16xi32> to vector<16xi32>
        %mul3A_158 = arith.constant 128 : i32
        %mul3A_159 = arith.muli %scan3A_57, %mul3A_158 : i32
        %add3A_160 = arith.constant 96 : i32
        %add3A_161 = arith.addi %mul3A_159, %add3A_160 : i32
        %swap3A_162 = arith.index_cast %add3A_161 : i32 to index
        %swap3A_163 = tpu.vector_load %arg10[%swap3A_162] {strides = array<i32>} : memref<6656xi32, #tpu.memory_space<vmem>>, vector<16xi32>,
        %swap3A_164 = vector.shape_cast %swap3A_163 : vector<16xi32> to vector<16xi32>
        %swap3A_165 = vector.shape_cast %get3A_157 : vector<16xi32> to vector<16xi32>
        tpu.vector_store %arg10[%swap3A_162], %swap3A_165 {strides = array<i32>} : memref<6656xi32, #tpu.memory_space<vmem>>, vector<16xi32>,
        %get3A_166 = arith.constant 112 : index
        %get3A_167 = tpu.vector_load %arg16[%get3A_166] {strides = array<i32>} : memref<128xi32, #tpu.memory_space<vmem>>, vector<16xi32>,
        %get3A_168 = vector.shape_cast %get3A_167 : vector<16xi32> to vector<16xi32>
        %mul3A_169 = arith.constant 128 : i32
        %mul3A_170 = arith.muli %scan3A_57, %mul3A_169 : i32
        %add3A_171 = arith.constant 112 : i32
        %add3A_172 = arith.addi %mul3A_170, %add3A_171 : i32
        %swap3A_173 = arith.index_cast %add3A_172 : i32 to index
        %swap3A_174 = tpu.vector_load %arg10[%swap3A_173] {strides = array<i32>} : memref<6656xi32, #tpu.memory_space<vmem>>, vector<16xi32>,
        %swap3A_175 = vector.shape_cast %swap3A_174 : vector<16xi32> to vector<16xi32>
        %swap3A_176 = vector.shape_cast %get3A_168 : vector<16xi32> to vector<16xi32>
        tpu.vector_store %arg10[%swap3A_173], %swap3A_176 {strides = array<i32>} : memref<6656xi32, #tpu.memory_space<vmem>>, vector<16xi32>,
        %add3A_177 = arith.constant 3 : i32
        %add3A_178 = arith.addi %scan3A_57, %add3A_177 : i32
        %lt3A = arith.constant 52 : i32
        %lt3A_179 = arith.cmpi slt, %add3A_178, %lt3A : i32
        %convert_element_type3A_180 = arith.extui %lt3A_179 : i1 to i32
        %cond3A_181 = arith.constant 0 : i32
        %cond3A_182 = arith.cmpi ne, %convert_element_type3A_180, %cond3A_181 : i32
        scf.if %cond3A_182 {
          %dma_wait3A_183 = arith.constant 0 : i32
          %dma_wait3A_184 = tpu.memref_slice %arg6[%mul3A_2, %dma_wait3A_183] : memref<212992x128xi32, #tpu.memory_space<hbm>> -> memref<128x128xi32, #tpu.memory_space<hbm>>
          %dma_wait3A_185 = arith.constant 0 : i32
          %dma_wait3A_186 = tpu.memref_slice %arg6[%mul3A_2, %dma_wait3A_185] : memref<212992x128xi32, #tpu.memory_space<hbm>> -> memref<128x128xi32, #tpu.memory_space<hbm>>
          tpu.wait_dma2 semaphore(%arg28 : memref<!tpu.dma_semaphore, #tpu.memory_space<semaphore_mem>>) src(%arg13 : memref<128x128xi32, #tpu.memory_space<vmem>>) dst(%dma_wait3A_186 : memref<128x128xi32, #tpu.memory_space<hbm>>)
          %add3A_187 = arith.constant 3 : i32
          %add3A_188 = arith.addi %scan3A_57, %add3A_187 : i32
          %mul3A_189 = arith.constant 128 : i32
          %mul3A_190 = arith.muli %add3A_188, %mul3A_189 : i32
          %mul3A_191 = arith.constant 128 : i32
          %mul3A_192 = arith.muli %add3A_188, %mul3A_191 : i32
          %dma_start3A_193 = tpu.memref_slice %arg8[%mul3A_190] : memref<6656xi32, #tpu.memory_space<vmem>> -> memref<128xi32, #tpu.memory_space<vmem>>
          %dma_start3A_194 = arith.constant 0 : i32
          %dma_start3A_195 = arith.constant 0 : i32
          %dma_start3A_196 = tpu.memref_slice %arg2[%dma_start3A_194, %dma_start3A_195] : memref<19683x128xi32, #tpu.memory_space<hbm>> -> memref<19683x128xi32, #tpu.memory_space<hbm>>
          tpu.enqueue_indirect_dma source(%dma_start3A_196 : memref<19683x128xi32, #tpu.memory_space<hbm>>) target(%arg13 : memref<128x128xi32, #tpu.memory_space<vmem>>) offsets(%dma_start3A_193 : memref<128xi32, #tpu.memory_space<vmem>>) semaphore(%arg22 : memref<!tpu.dma_semaphore, #tpu.memory_space<semaphore_mem>>)
          %dma_start3A_197 = tpu.memref_slice %arg9[%mul3A_192] : memref<6656xi32, #tpu.memory_space<vmem>> -> memref<128xi32, #tpu.memory_space<vmem>>
          %dma_start3A_198 = arith.constant 0 : i32
          %dma_start3A_199 = tpu.memref_slice %arg3[%dma_start3A_198] : memref<19683xi32, #tpu.memory_space<hbm>> -> memref<19683xi32, #tpu.memory_space<hbm>>
          tpu.enqueue_indirect_dma source(%dma_start3A_199 : memref<19683xi32, #tpu.memory_space<hbm>>) target(%arg16 : memref<128xi32, #tpu.memory_space<vmem>>) offsets(%dma_start3A_197 : memref<128xi32, #tpu.memory_space<vmem>>) semaphore(%arg25 : memref<!tpu.dma_semaphore, #tpu.memory_space<semaphore_mem>>)
        } else {
        }
      } else {
      }
    }
    %scan3A_40 = arith.constant 52 : i32
    %dma_wait3A_41 = arith.constant 0 : i32
    %dma_wait3A_42 = tpu.memref_slice %arg6[%mul3A_2, %dma_wait3A_41] : memref<212992x128xi32, #tpu.memory_space<hbm>> -> memref<128x128xi32, #tpu.memory_space<hbm>>
    %dma_wait3A_43 = arith.constant 0 : i32
    %dma_wait3A_44 = tpu.memref_slice %arg6[%mul3A_2, %dma_wait3A_43] : memref<212992x128xi32, #tpu.memory_space<hbm>> -> memref<128x128xi32, #tpu.memory_space<hbm>>
    tpu.wait_dma2 semaphore(%arg26 : memref<!tpu.dma_semaphore, #tpu.memory_space<semaphore_mem>>) src(%arg11 : memref<128x128xi32, #tpu.memory_space<vmem>>) dst(%dma_wait3A_44 : memref<128x128xi32, #tpu.memory_space<hbm>>)
    %dma_wait3A_45 = arith.constant 0 : i32
    %dma_wait3A_46 = tpu.memref_slice %arg6[%mul3A_2, %dma_wait3A_45] : memref<212992x128xi32, #tpu.memory_space<hbm>> -> memref<128x128xi32, #tpu.memory_space<hbm>>
    %dma_wait3A_47 = arith.constant 0 : i32
    %dma_wait3A_48 = tpu.memref_slice %arg6[%mul3A_2, %dma_wait3A_47] : memref<212992x128xi32, #tpu.memory_space<hbm>> -> memref<128x128xi32, #tpu.memory_space<hbm>>
    tpu.wait_dma2 semaphore(%arg27 : memref<!tpu.dma_semaphore, #tpu.memory_space<semaphore_mem>>) src(%arg12 : memref<128x128xi32, #tpu.memory_space<vmem>>) dst(%dma_wait3A_48 : memref<128x128xi32, #tpu.memory_space<hbm>>)
    %dma_wait3A_49 = arith.constant 0 : i32
    %dma_wait3A_50 = tpu.memref_slice %arg6[%mul3A_2, %dma_wait3A_49] : memref<212992x128xi32, #tpu.memory_space<hbm>> -> memref<128x128xi32, #tpu.memory_space<hbm>>
    %dma_wait3A_51 = arith.constant 0 : i32
    %dma_wait3A_52 = tpu.memref_slice %arg6[%mul3A_2, %dma_wait3A_51] : memref<212992x128xi32, #tpu.memory_space<hbm>> -> memref<128x128xi32, #tpu.memory_space<hbm>>
    tpu.wait_dma2 semaphore(%arg28 : memref<!tpu.dma_semaphore, #tpu.memory_space<semaphore_mem>>) src(%arg13 : memref<128x128xi32, #tpu.memory_space<vmem>>) dst(%dma_wait3A_52 : memref<128x128xi32, #tpu.memory_space<hbm>>)
    %dma_start3A_53 = tpu.memref_slice %arg7[%mul3A_2] : memref<212992xi32, #tpu.memory_space<hbm>> -> memref<6656xi32, #tpu.memory_space<hbm>>
    %dma_start3A_54 = tpu.memref_slice %arg7[%mul3A_2] : memref<212992xi32, #tpu.memory_space<hbm>> -> memref<6656xi32, #tpu.memory_space<hbm>>
    tpu.enqueue_dma source(%arg10 : memref<6656xi32, #tpu.memory_space<vmem>>) target(%dma_start3A_54 : memref<6656xi32, #tpu.memory_space<hbm>>) target_semaphore(%arg19 : memref<!tpu.dma_semaphore, #tpu.memory_space<semaphore_mem>>)
    %dma_wait3A_55 = tpu.memref_slice %arg7[%mul3A_2] : memref<212992xi32, #tpu.memory_space<hbm>> -> memref<6656xi32, #tpu.memory_space<hbm>>
    %dma_wait3A_56 = tpu.memref_slice %arg7[%mul3A_2] : memref<212992xi32, #tpu.memory_space<hbm>> -> memref<6656xi32, #tpu.memory_space<hbm>>
    tpu.wait_dma2 semaphore(%arg19 : memref<!tpu.dma_semaphore, #tpu.memory_space<semaphore_mem>>) src(%arg10 : memref<6656xi32, #tpu.memory_space<vmem>>) dst(%dma_wait3A_56 : memref<6656xi32, #tpu.memory_space<hbm>>)
    return
  }
}

module attributes {stable_mosaic.version = 14 : i64} {
  func.func @_tables_body(%arg0: i32, %arg1: memref<1024x256xf32, #tpu.memory_space<vmem>>, %arg2: memref<256x128xbf16, #tpu.memory_space<vmem>>, %arg3: memref<256x128xbf16, #tpu.memory_space<vmem>>, %arg4: memref<256x8xbf16, #tpu.memory_space<vmem>>, %arg5: memref<1024x128xi32, #tpu.memory_space<vmem>>, %arg6: memref<1024x1xi32, #tpu.memory_space<vmem>>) attributes {dimension_semantics = [#tpu.dimension_semantics<arbitrary>], iteration_bounds = array<i64: 20>, scalar_prefetch = 0 : i64, scratch_operands = 0 : i64, tpu.core_type = #tpu.core_type<tc>, window_params = [{transform_indices = @transform_0, window_bounds = array<i64: 1024, 256>}, {pipeline_mode = #tpu.pipeline_mode<synchronous>, transform_indices = @transform_1, window_bounds = array<i64: 256, 128>}, {pipeline_mode = #tpu.pipeline_mode<synchronous>, transform_indices = @transform_2, window_bounds = array<i64: 256, 128>}, {pipeline_mode = #tpu.pipeline_mode<synchronous>, transform_indices = @transform_3, window_bounds = array<i64: 256, 8>}, {transform_indices = @transform_4, window_bounds = array<i64: 1024, 128>}, {transform_indices = @transform_5, window_bounds = array<i64: 1024, 1>}]} {
    %get3A = arith.constant 0 : index
    %get3A_0 = arith.constant 0 : index
    %get3A_1 = vector.load %arg1[%get3A, %get3A_0] : memref<1024x256xf32, #tpu.memory_space<vmem>>, vector<1024x256xf32>
    %convert_element_type3A = arith.truncf %get3A_1 : vector<1024x256xf32> to vector<1024x256xbf16>
    %get3A_2 = arith.constant 0 : index
    %get3A_3 = arith.constant 0 : index
    %get3A_4 = vector.load %arg2[%get3A_2, %get3A_3] : memref<256x128xbf16, #tpu.memory_space<vmem>>, vector<256x128xbf16>
    %dot_general3A = arith.constant dense<0.000000e+00> : vector<1024x128xf32>
    %dot_general3A_5 = tpu.matmul %convert_element_type3A, %get3A_4, %dot_general3A {dimension_numbers = #tpu.dot_dimension_numbers<[1], [0], [0], [1], [0, 0, 1, 1], [], []>, transpose_lhs_hint = false} : vector<1024x256xbf16>, vector<256x128xbf16>, vector<1024x128xf32> -> vector<1024x128xf32>
    %get3A_6 = arith.constant 0 : index
    %get3A_7 = arith.constant 0 : index
    %get3A_8 = vector.load %arg3[%get3A_6, %get3A_7] : memref<256x128xbf16, #tpu.memory_space<vmem>>, vector<256x128xbf16>
    %dot_general3A_9 = arith.constant dense<0.000000e+00> : vector<1024x128xf32>
    %dot_general3A_10 = tpu.matmul %convert_element_type3A, %get3A_8, %dot_general3A_9 {dimension_numbers = #tpu.dot_dimension_numbers<[1], [0], [0], [1], [0, 0, 1, 1], [], []>, transpose_lhs_hint = false} : vector<1024x256xbf16>, vector<256x128xbf16>, vector<1024x128xf32> -> vector<1024x128xf32>
    %convert_element_type3A_11 = arith.truncf %dot_general3A_5 : vector<1024x128xf32> to vector<1024x128xbf16>
    %bitcast_convert_type3A = tpu.bitcast %convert_element_type3A_11 : vector<1024x128xbf16> -> vector<1024x128xi16>
    %convert_element_type3A_12 = arith.extui %bitcast_convert_type3A : vector<1024x128xi16> to vector<1024x128xi32>
    %convert_element_type3A_13 = arith.truncf %dot_general3A_10 : vector<1024x128xf32> to vector<1024x128xbf16>
    %bitcast_convert_type3A_14 = tpu.bitcast %convert_element_type3A_13 : vector<1024x128xbf16> -> vector<1024x128xi16>
    %convert_element_type3A_15 = arith.extui %bitcast_convert_type3A_14 : vector<1024x128xi16> to vector<1024x128xi32>
    %shift_left3A = arith.constant 16 : i32
    %shift_left3A_16 = vector.broadcast %shift_left3A : i32 to vector<1024x128xi32>
    %shift_left3A_17 = arith.shli %convert_element_type3A_15, %shift_left3A_16 : vector<1024x128xi32>
    %or3A = arith.ori %shift_left3A_17, %convert_element_type3A_12 : vector<1024x128xi32>
    %bitcast_convert_type3A_18 = tpu.bitcast %or3A : vector<1024x128xi32> -> vector<1024x128xi32>
    %swap3A = arith.constant 0 : index
    %swap3A_19 = arith.constant 0 : index
    %swap3A_20 = vector.load %arg5[%swap3A, %swap3A_19] : memref<1024x128xi32, #tpu.memory_space<vmem>>, vector<1024x128xi32>
    tpu.vector_store %arg5[%swap3A, %swap3A_19], %bitcast_convert_type3A_18 {strides = array<i32>} : memref<1024x128xi32, #tpu.memory_space<vmem>>, vector<1024x128xi32>,
    %get3A_21 = arith.constant 0 : index
    %get3A_22 = arith.constant 0 : index
    %get3A_23 = vector.load %arg4[%get3A_21, %get3A_22] : memref<256x8xbf16, #tpu.memory_space<vmem>>, vector<256x8xbf16>
    %dot_general3A_24 = arith.constant dense<0.000000e+00> : vector<1024x8xf32>
    %dot_general3A_25 = tpu.matmul %convert_element_type3A, %get3A_23, %dot_general3A_24 {dimension_numbers = #tpu.dot_dimension_numbers<[1], [0], [0], [1], [0, 0, 1, 1], [], []>, transpose_lhs_hint = false} : vector<1024x256xbf16>, vector<256x8xbf16>, vector<1024x8xf32> -> vector<1024x8xf32>
    %jit3A = arith.constant -4.000000e+00 : f32
    %jit3A_26 = arith.constant 4.000000e+00 : f32
    %max3A = vector.broadcast %jit3A : f32 to vector<1024x8xf32>
    %max3A_27 = arith.maximumf %max3A, %dot_general3A_25 : vector<1024x8xf32>
    %min3A = vector.broadcast %jit3A_26 : f32 to vector<1024x8xf32>
    %min3A_28 = arith.minimumf %min3A, %max3A_27 : vector<1024x8xf32>
    %add3A = arith.constant 4.000000e+00 : f32
    %add3A_29 = vector.broadcast %add3A : f32 to vector<1024x8xf32>
    %add3A_30 = arith.addf %min3A_28, %add3A_29 : vector<1024x8xf32>
    %mul3A = arith.constant 1.278750e+02 : f32
    %mul3A_31 = vector.broadcast %mul3A : f32 to vector<1024x8xf32>
    %mul3A_32 = arith.mulf %add3A_30, %mul3A_31 : vector<1024x8xf32>
    %add3A_33 = arith.constant 5.000000e-01 : f32
    %add3A_34 = vector.broadcast %add3A_33 : f32 to vector<1024x8xf32>
    %add3A_35 = arith.addf %mul3A_32, %add3A_34 : vector<1024x8xf32>
    %convert_element_type3A_36 = arith.fptoui %add3A_35 : vector<1024x8xf32> to vector<1024x8xi32>
    %slice3A = vector.extract_strided_slice %convert_element_type3A_36 {offsets = [0, 0], sizes = [1024, 1], strides = [1, 1]} : vector<1024x8xi32> to vector<1024x1xi32>
    %slice3A_37 = vector.extract_strided_slice %convert_element_type3A_36 {offsets = [0, 1], sizes = [1024, 1], strides = [1, 1]} : vector<1024x8xi32> to vector<1024x1xi32>
    %shift_left3A_38 = arith.constant 10 : i32
    %shift_left3A_39 = vector.broadcast %shift_left3A_38 : i32 to vector<1024x1xi32>
    %shift_left3A_40 = arith.shli %slice3A_37, %shift_left3A_39 : vector<1024x1xi32>
    %or3A_41 = arith.ori %slice3A, %shift_left3A_40 : vector<1024x1xi32>
    %slice3A_42 = vector.extract_strided_slice %convert_element_type3A_36 {offsets = [0, 2], sizes = [1024, 1], strides = [1, 1]} : vector<1024x8xi32> to vector<1024x1xi32>
    %shift_left3A_43 = arith.constant 20 : i32
    %shift_left3A_44 = vector.broadcast %shift_left3A_43 : i32 to vector<1024x1xi32>
    %shift_left3A_45 = arith.shli %slice3A_42, %shift_left3A_44 : vector<1024x1xi32>
    %or3A_46 = arith.ori %or3A_41, %shift_left3A_45 : vector<1024x1xi32>
    %bitcast_convert_type3A_47 = tpu.bitcast %or3A_46 : vector<1024x1xi32> -> vector<1024x1xi32>
    %swap3A_48 = arith.constant 0 : index
    %swap3A_49 = arith.constant 0 : index
    %swap3A_50 = vector.load %arg6[%swap3A_48, %swap3A_49] : memref<1024x1xi32, #tpu.memory_space<vmem>>, vector<1024x1xi32>
    tpu.vector_store %arg6[%swap3A_48, %swap3A_49], %bitcast_convert_type3A_47 {strides = array<i32>} : memref<1024x1xi32, #tpu.memory_space<vmem>>, vector<1024x1xi32>,
    return
  }
  func.func @transform_0(%arg0: i32) -> (i32, i32) {
    %c0_i32 = arith.constant 0 : i32
    %c0_i32_0 = arith.constant 0 : i32
    return %arg0, %c0_i32 : i32, i32
  }
  func.func @transform_1(%arg0: i32) -> (i32, i32) {
    %c0_i32 = arith.constant 0 : i32
    %c0_i32_0 = arith.constant 0 : i32
    %c0_i32_1 = arith.constant 0 : i32
    return %c0_i32, %c0_i32_0 : i32, i32
  }
  func.func @transform_2(%arg0: i32) -> (i32, i32) {
    %c0_i32 = arith.constant 0 : i32
    %c0_i32_0 = arith.constant 0 : i32
    %c0_i32_1 = arith.constant 0 : i32
    return %c0_i32, %c0_i32_0 : i32, i32
  }
  func.func @transform_3(%arg0: i32) -> (i32, i32) {
    %c0_i32 = arith.constant 0 : i32
    %c0_i32_0 = arith.constant 0 : i32
    %c0_i32_1 = arith.constant 0 : i32
    return %c0_i32, %c0_i32_0 : i32, i32
  }
  func.func @transform_4(%arg0: i32) -> (i32, i32) {
    %c0_i32 = arith.constant 0 : i32
    %c0_i32_0 = arith.constant 0 : i32
    return %arg0, %c0_i32 : i32, i32
  }
  func.func @transform_5(%arg0: i32) -> (i32, i32) {
    %c0_i32 = arith.constant 0 : i32
    %c0_i32_0 = arith.constant 0 : i32
    return %arg0, %c0_i32 : i32, i32
  }
}

module attributes {stable_mosaic.version = 14 : i64} {
  func.func @_moe_body(%arg0: i32, %arg1: memref<256x256xf32, #tpu.memory_space<vmem>>, %arg2: memref<6656x128xi32, #tpu.memory_space<vmem>>, %arg3: memref<256x26xi32, #tpu.memory_space<vmem>>, %arg4: memref<256x256xbf16, #tpu.memory_space<vmem>>, %arg5: memref<256x256xbf16, #tpu.memory_space<vmem>>, %arg6: memref<256x256xbf16, #tpu.memory_space<vmem>>, %arg7: memref<256x256xbf16, #tpu.memory_space<vmem>>, %arg8: memref<256x512xbf16, #tpu.memory_space<vmem>>, %arg9: memref<512x256xbf16, #tpu.memory_space<vmem>>, %arg10: memref<256x8xbf16, #tpu.memory_space<vmem>>, %arg11: memref<1x256xf32, #tpu.memory_space<vmem>>, %arg12: memref<1x256xf32, #tpu.memory_space<vmem>>, %arg13: memref<1x256xf32, #tpu.memory_space<vmem>>, %arg14: memref<1x512xf32, #tpu.memory_space<vmem>>, %arg15: memref<1x256xf32, #tpu.memory_space<vmem>>, %arg16: memref<1x8xf32, #tpu.memory_space<vmem>>, %arg17: memref<256x256xf32, #tpu.memory_space<vmem>>) attributes {dimension_semantics = [#tpu.dimension_semantics<arbitrary>], iteration_bounds = array<i64: 32>, scalar_prefetch = 0 : i64, scratch_operands = 0 : i64, tpu.core_type = #tpu.core_type<tc>, window_params = [{transform_indices = @transform_0, window_bounds = array<i64: 256, 256>}, {transform_indices = @transform_1, window_bounds = array<i64: 6656, 128>}, {transform_indices = @transform_2, window_bounds = array<i64: 256, 26>}, {pipeline_mode = #tpu.pipeline_mode<synchronous>, transform_indices = @transform_3, window_bounds = array<i64: 256, 256>}, {pipeline_mode = #tpu.pipeline_mode<synchronous>, transform_indices = @transform_4, window_bounds = array<i64: 256, 256>}, {pipeline_mode = #tpu.pipeline_mode<synchronous>, transform_indices = @transform_5, window_bounds = array<i64: 256, 256>}, {pipeline_mode = #tpu.pipeline_mode<synchronous>, transform_indices = @transform_6, window_bounds = array<i64: 256, 256>}, {pipeline_mode = #tpu.pipeline_mode<synchronous>, transform_indices = @transform_7, window_bounds = array<i64: 256, 512>}, {pipeline_mode = #tpu.pipeline_mode<synchronous>, transform_indices = @transform_8, window_bounds = array<i64: 512, 256>}, {pipeline_mode = #tpu.pipeline_mode<synchronous>, transform_indices = @transform_9, window_bounds = array<i64: 256, 8>}, {pipeline_mode = #tpu.pipeline_mode<synchronous>, transform_indices = @transform_10, window_bounds = array<i64: 1, 256>}, {pipeline_mode = #tpu.pipeline_mode<synchronous>, transform_indices = @transform_11, window_bounds = array<i64: 1, 256>}, {pipeline_mode = #tpu.pipeline_mode<synchronous>, transform_indices = @transform_12, window_bounds = array<i64: 1, 256>}, {pipeline_mode = #tpu.pipeline_mode<synchronous>, transform_indices = @transform_13, window_bounds = array<i64: 1, 512>}, {pipeline_mode = #tpu.pipeline_mode<synchronous>, transform_indices = @transform_14, window_bounds = array<i64: 1, 256>}, {pipeline_mode = #tpu.pipeline_mode<synchronous>, transform_indices = @transform_15, window_bounds = array<i64: 1, 8>}, {transform_indices = @transform_16, window_bounds = array<i64: 256, 256>}]} {
    %get3A = arith.constant 0 : index
    %get3A_0 = arith.constant 0 : index
    %get3A_1 = vector.load %arg1[%get3A, %get3A_0] : memref<256x256xf32, #tpu.memory_space<vmem>>, vector<256x256xf32>
    %convert_element_type3A = arith.truncf %get3A_1 : vector<256x256xf32> to vector<256x256xbf16>
    %get3A_2 = arith.constant 0 : index
    %get3A_3 = arith.constant 0 : index
    %get3A_4 = vector.load %arg4[%get3A_2, %get3A_3] : memref<256x256xbf16, #tpu.memory_space<vmem>>, vector<256x256xbf16>
    %dot_general3A = arith.constant dense<0.000000e+00> : vector<256x256xf32>
    %dot_general3A_5 = tpu.matmul %convert_element_type3A, %get3A_4, %dot_general3A {dimension_numbers = #tpu.dot_dimension_numbers<[1], [0], [0], [1], [0, 0, 1, 1], [], []>, transpose_lhs_hint = false} : vector<256x256xbf16>, vector<256x256xbf16>, vector<256x256xf32> -> vector<256x256xf32>
    %get3A_6 = arith.constant 0 : index
    %get3A_7 = arith.constant 0 : index
    %get3A_8 = vector.load %arg11[%get3A_6, %get3A_7] : memref<1x256xf32, #tpu.memory_space<vmem>>, vector<1x256xf32>
    %add3A = vector.broadcast %get3A_8 : vector<1x256xf32> to vector<256x256xf32>
    %add3A_9 = arith.addf %dot_general3A_5, %add3A : vector<256x256xf32>
    %slice3A = vector.extract_strided_slice %add3A_9 {offsets = [0, 0], sizes = [256, 128], strides = [1, 1]} : vector<256x256xf32> to vector<256x128xf32>
    %slice3A_10 = vector.extract_strided_slice %add3A_9 {offsets = [0, 128], sizes = [256, 128], strides = [1, 1]} : vector<256x256xf32> to vector<256x128xf32>
    %broadcast_in_dim3A = arith.constant 0.000000e+00 : f32
    %broadcast_in_dim3A_11 = vector.broadcast %broadcast_in_dim3A : f32 to vector<256x128xf32>
    %broadcast_in_dim3A_12 = arith.constant 0.000000e+00 : f32
    %broadcast_in_dim3A_13 = vector.broadcast %broadcast_in_dim3A_12 : f32 to vector<256x128xf32>
    %get3A_14 = arith.constant 0 : index
    %get3A_15 = arith.constant 0 : index
    %get3A_16 = vector.load %arg2[%get3A_14, %get3A_15] : memref<6656x128xi32, #tpu.memory_space<vmem>>, vector<256x128xi32>
    %shift_left3A = arith.constant 16 : i32
    %shift_left3A_17 = vector.broadcast %shift_left3A : i32 to vector<256x128xi32>
    %shift_left3A_18 = arith.shli %get3A_16, %shift_left3A_17 : vector<256x128xi32>
    %bitcast_convert_type3A = tpu.bitcast %shift_left3A_18 : vector<256x128xi32> -> vector<256x128xf32>
    %and3A = arith.constant -65536 : i32
    %and3A_19 = vector.broadcast %and3A : i32 to vector<256x128xi32>
    %and3A_20 = arith.andi %get3A_16, %and3A_19 : vector<256x128xi32>
    %bitcast_convert_type3A_21 = tpu.bitcast %and3A_20 : vector<256x128xi32> -> vector<256x128xf32>
    %add3A_22 = arith.addf %slice3A, %bitcast_convert_type3A : vector<256x128xf32>
    %tanh3A = math.tanh %add3A_22 : vector<256x128xf32>
    %add3A_23 = arith.addf %broadcast_in_dim3A_11, %tanh3A : vector<256x128xf32>
    %add3A_24 = arith.addf %slice3A_10, %bitcast_convert_type3A_21 : vector<256x128xf32>
    %tanh3A_25 = math.tanh %add3A_24 : vector<256x128xf32>
    %add3A_26 = arith.addf %broadcast_in_dim3A_13, %tanh3A_25 : vector<256x128xf32>
    %get3A_27 = arith.constant 256 : index
    %get3A_28 = arith.constant 0 : index
    %get3A_29 = vector.load %arg2[%get3A_27, %get3A_28] : memref<6656x128xi32, #tpu.memory_space<vmem>>, vector<256x128xi32>
    %shift_left3A_30 = arith.constant 16 : i32
    %shift_left3A_31 = vector.broadcast %shift_left3A_30 : i32 to vector<256x128xi32>
    %shift_left3A_32 = arith.shli %get3A_29, %shift_left3A_31 : vector<256x128xi32>
    %bitcast_convert_type3A_33 = tpu.bitcast %shift_left3A_32 : vector<256x128xi32> -> vector<256x128xf32>
    %and3A_34 = arith.constant -65536 : i32
    %and3A_35 = vector.broadcast %and3A_34 : i32 to vector<256x128xi32>
    %and3A_36 = arith.andi %get3A_29, %and3A_35 : vector<256x128xi32>
    %bitcast_convert_type3A_37 = tpu.bitcast %and3A_36 : vector<256x128xi32> -> vector<256x128xf32>
    %add3A_38 = arith.addf %slice3A, %bitcast_convert_type3A_33 : vector<256x128xf32>
    %tanh3A_39 = math.tanh %add3A_38 : vector<256x128xf32>
    %add3A_40 = arith.addf %add3A_23, %tanh3A_39 : vector<256x128xf32>
    %add3A_41 = arith.addf %slice3A_10, %bitcast_convert_type3A_37 : vector<256x128xf32>
    %tanh3A_42 = math.tanh %add3A_41 : vector<256x128xf32>
    %add3A_43 = arith.addf %add3A_26, %tanh3A_42 : vector<256x128xf32>
    %get3A_44 = arith.constant 512 : index
    %get3A_45 = arith.constant 0 : index
    %get3A_46 = vector.load %arg2[%get3A_44, %get3A_45] : memref<6656x128xi32, #tpu.memory_space<vmem>>, vector<256x128xi32>
    %shift_left3A_47 = arith.constant 16 : i32
    %shift_left3A_48 = vector.broadcast %shift_left3A_47 : i32 to vector<256x128xi32>
    %shift_left3A_49 = arith.shli %get3A_46, %shift_left3A_48 : vector<256x128xi32>
    %bitcast_convert_type3A_50 = tpu.bitcast %shift_left3A_49 : vector<256x128xi32> -> vector<256x128xf32>
    %and3A_51 = arith.constant -65536 : i32
    %and3A_52 = vector.broadcast %and3A_51 : i32 to vector<256x128xi32>
    %and3A_53 = arith.andi %get3A_46, %and3A_52 : vector<256x128xi32>
    %bitcast_convert_type3A_54 = tpu.bitcast %and3A_53 : vector<256x128xi32> -> vector<256x128xf32>
    %add3A_55 = arith.addf %slice3A, %bitcast_convert_type3A_50 : vector<256x128xf32>
    %tanh3A_56 = math.tanh %add3A_55 : vector<256x128xf32>
    %add3A_57 = arith.addf %add3A_40, %tanh3A_56 : vector<256x128xf32>
    %add3A_58 = arith.addf %slice3A_10, %bitcast_convert_type3A_54 : vector<256x128xf32>
    %tanh3A_59 = math.tanh %add3A_58 : vector<256x128xf32>
    %add3A_60 = arith.addf %add3A_43, %tanh3A_59 : vector<256x128xf32>
    %get3A_61 = arith.constant 768 : index
    %get3A_62 = arith.constant 0 : index
    %get3A_63 = vector.load %arg2[%get3A_61, %get3A_62] : memref<6656x128xi32, #tpu.memory_space<vmem>>, vector<256x128xi32>
    %shift_left3A_64 = arith.constant 16 : i32
    %shift_left3A_65 = vector.broadcast %shift_left3A_64 : i32 to vector<256x128xi32>
    %shift_left3A_66 = arith.shli %get3A_63, %shift_left3A_65 : vector<256x128xi32>
    %bitcast_convert_type3A_67 = tpu.bitcast %shift_left3A_66 : vector<256x128xi32> -> vector<256x128xf32>
    %and3A_68 = arith.constant -65536 : i32
    %and3A_69 = vector.broadcast %and3A_68 : i32 to vector<256x128xi32>
    %and3A_70 = arith.andi %get3A_63, %and3A_69 : vector<256x128xi32>
    %bitcast_convert_type3A_71 = tpu.bitcast %and3A_70 : vector<256x128xi32> -> vector<256x128xf32>
    %add3A_72 = arith.addf %slice3A, %bitcast_convert_type3A_67 : vector<256x128xf32>
    %tanh3A_73 = math.tanh %add3A_72 : vector<256x128xf32>
    %add3A_74 = arith.addf %add3A_57, %tanh3A_73 : vector<256x128xf32>
    %add3A_75 = arith.addf %slice3A_10, %bitcast_convert_type3A_71 : vector<256x128xf32>
    %tanh3A_76 = math.tanh %add3A_75 : vector<256x128xf32>
    %add3A_77 = arith.addf %add3A_60, %tanh3A_76 : vector<256x128xf32>
    %get3A_78 = arith.constant 1024 : index
    %get3A_79 = arith.constant 0 : index
    %get3A_80 = vector.load %arg2[%get3A_78, %get3A_79] : memref<6656x128xi32, #tpu.memory_space<vmem>>, vector<256x128xi32>
    %shift_left3A_81 = arith.constant 16 : i32
    %shift_left3A_82 = vector.broadcast %shift_left3A_81 : i32 to vector<256x128xi32>
    %shift_left3A_83 = arith.shli %get3A_80, %shift_left3A_82 : vector<256x128xi32>
    %bitcast_convert_type3A_84 = tpu.bitcast %shift_left3A_83 : vector<256x128xi32> -> vector<256x128xf32>
    %and3A_85 = arith.constant -65536 : i32
    %and3A_86 = vector.broadcast %and3A_85 : i32 to vector<256x128xi32>
    %and3A_87 = arith.andi %get3A_80, %and3A_86 : vector<256x128xi32>
    %bitcast_convert_type3A_88 = tpu.bitcast %and3A_87 : vector<256x128xi32> -> vector<256x128xf32>
    %add3A_89 = arith.addf %slice3A, %bitcast_convert_type3A_84 : vector<256x128xf32>
    %tanh3A_90 = math.tanh %add3A_89 : vector<256x128xf32>
    %add3A_91 = arith.addf %add3A_74, %tanh3A_90 : vector<256x128xf32>
    %add3A_92 = arith.addf %slice3A_10, %bitcast_convert_type3A_88 : vector<256x128xf32>
    %tanh3A_93 = math.tanh %add3A_92 : vector<256x128xf32>
    %add3A_94 = arith.addf %add3A_77, %tanh3A_93 : vector<256x128xf32>
    %get3A_95 = arith.constant 1280 : index
    %get3A_96 = arith.constant 0 : index
    %get3A_97 = vector.load %arg2[%get3A_95, %get3A_96] : memref<6656x128xi32, #tpu.memory_space<vmem>>, vector<256x128xi32>
    %shift_left3A_98 = arith.constant 16 : i32
    %shift_left3A_99 = vector.broadcast %shift_left3A_98 : i32 to vector<256x128xi32>
    %shift_left3A_100 = arith.shli %get3A_97, %shift_left3A_99 : vector<256x128xi32>
    %bitcast_convert_type3A_101 = tpu.bitcast %shift_left3A_100 : vector<256x128xi32> -> vector<256x128xf32>
    %and3A_102 = arith.constant -65536 : i32
    %and3A_103 = vector.broadcast %and3A_102 : i32 to vector<256x128xi32>
    %and3A_104 = arith.andi %get3A_97, %and3A_103 : vector<256x128xi32>
    %bitcast_convert_type3A_105 = tpu.bitcast %and3A_104 : vector<256x128xi32> -> vector<256x128xf32>
    %add3A_106 = arith.addf %slice3A, %bitcast_convert_type3A_101 : vector<256x128xf32>
    %tanh3A_107 = math.tanh %add3A_106 : vector<256x128xf32>
    %add3A_108 = arith.addf %add3A_91, %tanh3A_107 : vector<256x128xf32>
    %add3A_109 = arith.addf %slice3A_10, %bitcast_convert_type3A_105 : vector<256x128xf32>
    %tanh3A_110 = math.tanh %add3A_109 : vector<256x128xf32>
    %add3A_111 = arith.addf %add3A_94, %tanh3A_110 : vector<256x128xf32>
    %get3A_112 = arith.constant 1536 : index
    %get3A_113 = arith.constant 0 : index
    %get3A_114 = vector.load %arg2[%get3A_112, %get3A_113] : memref<6656x128xi32, #tpu.memory_space<vmem>>, vector<256x128xi32>
    %shift_left3A_115 = arith.constant 16 : i32
    %shift_left3A_116 = vector.broadcast %shift_left3A_115 : i32 to vector<256x128xi32>
    %shift_left3A_117 = arith.shli %get3A_114, %shift_left3A_116 : vector<256x128xi32>
    %bitcast_convert_type3A_118 = tpu.bitcast %shift_left3A_117 : vector<256x128xi32> -> vector<256x128xf32>
    %and3A_119 = arith.constant -65536 : i32
    %and3A_120 = vector.broadcast %and3A_119 : i32 to vector<256x128xi32>
    %and3A_121 = arith.andi %get3A_114, %and3A_120 : vector<256x128xi32>
    %bitcast_convert_type3A_122 = tpu.bitcast %and3A_121 : vector<256x128xi32> -> vector<256x128xf32>
    %add3A_123 = arith.addf %slice3A, %bitcast_convert_type3A_118 : vector<256x128xf32>
    %tanh3A_124 = math.tanh %add3A_123 : vector<256x128xf32>
    %add3A_125 = arith.addf %add3A_108, %tanh3A_124 : vector<256x128xf32>
    %add3A_126 = arith.addf %slice3A_10, %bitcast_convert_type3A_122 : vector<256x128xf32>
    %tanh3A_127 = math.tanh %add3A_126 : vector<256x128xf32>
    %add3A_128 = arith.addf %add3A_111, %tanh3A_127 : vector<256x128xf32>
    %get3A_129 = arith.constant 1792 : index
    %get3A_130 = arith.constant 0 : index
    %get3A_131 = vector.load %arg2[%get3A_129, %get3A_130] : memref<6656x128xi32, #tpu.memory_space<vmem>>, vector<256x128xi32>
    %shift_left3A_132 = arith.constant 16 : i32
    %shift_left3A_133 = vector.broadcast %shift_left3A_132 : i32 to vector<256x128xi32>
    %shift_left3A_134 = arith.shli %get3A_131, %shift_left3A_133 : vector<256x128xi32>
    %bitcast_convert_type3A_135 = tpu.bitcast %shift_left3A_134 : vector<256x128xi32> -> vector<256x128xf32>
    %and3A_136 = arith.constant -65536 : i32
    %and3A_137 = vector.broadcast %and3A_136 : i32 to vector<256x128xi32>
    %and3A_138 = arith.andi %get3A_131, %and3A_137 : vector<256x128xi32>
    %bitcast_convert_type3A_139 = tpu.bitcast %and3A_138 : vector<256x128xi32> -> vector<256x128xf32>
    %add3A_140 = arith.addf %slice3A, %bitcast_convert_type3A_135 : vector<256x128xf32>
    %tanh3A_141 = math.tanh %add3A_140 : vector<256x128xf32>
    %add3A_142 = arith.addf %add3A_125, %tanh3A_141 : vector<256x128xf32>
    %add3A_143 = arith.addf %slice3A_10, %bitcast_convert_type3A_139 : vector<256x128xf32>
    %tanh3A_144 = math.tanh %add3A_143 : vector<256x128xf32>
    %add3A_145 = arith.addf %add3A_128, %tanh3A_144 : vector<256x128xf32>
    %get3A_146 = arith.constant 2048 : index
    %get3A_147 = arith.constant 0 : index
    %get3A_148 = vector.load %arg2[%get3A_146, %get3A_147] : memref<6656x128xi32, #tpu.memory_space<vmem>>, vector<256x128xi32>
    %shift_left3A_149 = arith.constant 16 : i32
    %shift_left3A_150 = vector.broadcast %shift_left3A_149 : i32 to vector<256x128xi32>
    %shift_left3A_151 = arith.shli %get3A_148, %shift_left3A_150 : vector<256x128xi32>
    %bitcast_convert_type3A_152 = tpu.bitcast %shift_left3A_151 : vector<256x128xi32> -> vector<256x128xf32>
    %and3A_153 = arith.constant -65536 : i32
    %and3A_154 = vector.broadcast %and3A_153 : i32 to vector<256x128xi32>
    %and3A_155 = arith.andi %get3A_148, %and3A_154 : vector<256x128xi32>
    %bitcast_convert_type3A_156 = tpu.bitcast %and3A_155 : vector<256x128xi32> -> vector<256x128xf32>
    %add3A_157 = arith.addf %slice3A, %bitcast_convert_type3A_152 : vector<256x128xf32>
    %tanh3A_158 = math.tanh %add3A_157 : vector<256x128xf32>
    %add3A_159 = arith.addf %add3A_142, %tanh3A_158 : vector<256x128xf32>
    %add3A_160 = arith.addf %slice3A_10, %bitcast_convert_type3A_156 : vector<256x128xf32>
    %tanh3A_161 = math.tanh %add3A_160 : vector<256x128xf32>
    %add3A_162 = arith.addf %add3A_145, %tanh3A_161 : vector<256x128xf32>
    %get3A_163 = arith.constant 2304 : index
    %get3A_164 = arith.constant 0 : index
    %get3A_165 = vector.load %arg2[%get3A_163, %get3A_164] : memref<6656x128xi32, #tpu.memory_space<vmem>>, vector<256x128xi32>
    %shift_left3A_166 = arith.constant 16 : i32
    %shift_left3A_167 = vector.broadcast %shift_left3A_166 : i32 to vector<256x128xi32>
    %shift_left3A_168 = arith.shli %get3A_165, %shift_left3A_167 : vector<256x128xi32>
    %bitcast_convert_type3A_169 = tpu.bitcast %shift_left3A_168 : vector<256x128xi32> -> vector<256x128xf32>
    %and3A_170 = arith.constant -65536 : i32
    %and3A_171 = vector.broadcast %and3A_170 : i32 to vector<256x128xi32>
    %and3A_172 = arith.andi %get3A_165, %and3A_171 : vector<256x128xi32>
    %bitcast_convert_type3A_173 = tpu.bitcast %and3A_172 : vector<256x128xi32> -> vector<256x128xf32>
    %add3A_174 = arith.addf %slice3A, %bitcast_convert_type3A_169 : vector<256x128xf32>
    %tanh3A_175 = math.tanh %add3A_174 : vector<256x128xf32>
    %add3A_176 = arith.addf %add3A_159, %tanh3A_175 : vector<256x128xf32>
    %add3A_177 = arith.addf %slice3A_10, %bitcast_convert_type3A_173 : vector<256x128xf32>
    %tanh3A_178 = math.tanh %add3A_177 : vector<256x128xf32>
    %add3A_179 = arith.addf %add3A_162, %tanh3A_178 : vector<256x128xf32>
    %get3A_180 = arith.constant 2560 : index
    %get3A_181 = arith.constant 0 : index
    %get3A_182 = vector.load %arg2[%get3A_180, %get3A_181] : memref<6656x128xi32, #tpu.memory_space<vmem>>, vector<256x128xi32>
    %shift_left3A_183 = arith.constant 16 : i32
    %shift_left3A_184 = vector.broadcast %shift_left3A_183 : i32 to vector<256x128xi32>
    %shift_left3A_185 = arith.shli %get3A_182, %shift_left3A_184 : vector<256x128xi32>
    %bitcast_convert_type3A_186 = tpu.bitcast %shift_left3A_185 : vector<256x128xi32> -> vector<256x128xf32>
    %and3A_187 = arith.constant -65536 : i32
    %and3A_188 = vector.broadcast %and3A_187 : i32 to vector<256x128xi32>
    %and3A_189 = arith.andi %get3A_182, %and3A_188 : vector<256x128xi32>
    %bitcast_convert_type3A_190 = tpu.bitcast %and3A_189 : vector<256x128xi32> -> vector<256x128xf32>
    %add3A_191 = arith.addf %slice3A, %bitcast_convert_type3A_186 : vector<256x128xf32>
    %tanh3A_192 = math.tanh %add3A_191 : vector<256x128xf32>
    %add3A_193 = arith.addf %add3A_176, %tanh3A_192 : vector<256x128xf32>
    %add3A_194 = arith.addf %slice3A_10, %bitcast_convert_type3A_190 : vector<256x128xf32>
    %tanh3A_195 = math.tanh %add3A_194 : vector<256x128xf32>
    %add3A_196 = arith.addf %add3A_179, %tanh3A_195 : vector<256x128xf32>
    %get3A_197 = arith.constant 2816 : index
    %get3A_198 = arith.constant 0 : index
    %get3A_199 = vector.load %arg2[%get3A_197, %get3A_198] : memref<6656x128xi32, #tpu.memory_space<vmem>>, vector<256x128xi32>
    %shift_left3A_200 = arith.constant 16 : i32
    %shift_left3A_201 = vector.broadcast %shift_left3A_200 : i32 to vector<256x128xi32>
    %shift_left3A_202 = arith.shli %get3A_199, %shift_left3A_201 : vector<256x128xi32>
    %bitcast_convert_type3A_203 = tpu.bitcast %shift_left3A_202 : vector<256x128xi32> -> vector<256x128xf32>
    %and3A_204 = arith.constant -65536 : i32
    %and3A_205 = vector.broadcast %and3A_204 : i32 to vector<256x128xi32>
    %and3A_206 = arith.andi %get3A_199, %and3A_205 : vector<256x128xi32>
    %bitcast_convert_type3A_207 = tpu.bitcast %and3A_206 : vector<256x128xi32> -> vector<256x128xf32>
    %add3A_208 = arith.addf %slice3A, %bitcast_convert_type3A_203 : vector<256x128xf32>
    %tanh3A_209 = math.tanh %add3A_208 : vector<256x128xf32>
    %add3A_210 = arith.addf %add3A_193, %tanh3A_209 : vector<256x128xf32>
    %add3A_211 = arith.addf %slice3A_10, %bitcast_convert_type3A_207 : vector<256x128xf32>
    %tanh3A_212 = math.tanh %add3A_211 : vector<256x128xf32>
    %add3A_213 = arith.addf %add3A_196, %tanh3A_212 : vector<256x128xf32>
    %get3A_214 = arith.constant 3072 : index
    %get3A_215 = arith.constant 0 : index
    %get3A_216 = vector.load %arg2[%get3A_214, %get3A_215] : memref<6656x128xi32, #tpu.memory_space<vmem>>, vector<256x128xi32>
    %shift_left3A_217 = arith.constant 16 : i32
    %shift_left3A_218 = vector.broadcast %shift_left3A_217 : i32 to vector<256x128xi32>
    %shift_left3A_219 = arith.shli %get3A_216, %shift_left3A_218 : vector<256x128xi32>
    %bitcast_convert_type3A_220 = tpu.bitcast %shift_left3A_219 : vector<256x128xi32> -> vector<256x128xf32>
    %and3A_221 = arith.constant -65536 : i32
    %and3A_222 = vector.broadcast %and3A_221 : i32 to vector<256x128xi32>
    %and3A_223 = arith.andi %get3A_216, %and3A_222 : vector<256x128xi32>
    %bitcast_convert_type3A_224 = tpu.bitcast %and3A_223 : vector<256x128xi32> -> vector<256x128xf32>
    %add3A_225 = arith.addf %slice3A, %bitcast_convert_type3A_220 : vector<256x128xf32>
    %tanh3A_226 = math.tanh %add3A_225 : vector<256x128xf32>
    %add3A_227 = arith.addf %add3A_210, %tanh3A_226 : vector<256x128xf32>
    %add3A_228 = arith.addf %slice3A_10, %bitcast_convert_type3A_224 : vector<256x128xf32>
    %tanh3A_229 = math.tanh %add3A_228 : vector<256x128xf32>
    %add3A_230 = arith.addf %add3A_213, %tanh3A_229 : vector<256x128xf32>
    %get3A_231 = arith.constant 3328 : index
    %get3A_232 = arith.constant 0 : index
    %get3A_233 = vector.load %arg2[%get3A_231, %get3A_232] : memref<6656x128xi32, #tpu.memory_space<vmem>>, vector<256x128xi32>
    %shift_left3A_234 = arith.constant 16 : i32
    %shift_left3A_235 = vector.broadcast %shift_left3A_234 : i32 to vector<256x128xi32>
    %shift_left3A_236 = arith.shli %get3A_233, %shift_left3A_235 : vector<256x128xi32>
    %bitcast_convert_type3A_237 = tpu.bitcast %shift_left3A_236 : vector<256x128xi32> -> vector<256x128xf32>
    %and3A_238 = arith.constant -65536 : i32
    %and3A_239 = vector.broadcast %and3A_238 : i32 to vector<256x128xi32>
    %and3A_240 = arith.andi %get3A_233, %and3A_239 : vector<256x128xi32>
    %bitcast_convert_type3A_241 = tpu.bitcast %and3A_240 : vector<256x128xi32> -> vector<256x128xf32>
    %add3A_242 = arith.addf %slice3A, %bitcast_convert_type3A_237 : vector<256x128xf32>
    %tanh3A_243 = math.tanh %add3A_242 : vector<256x128xf32>
    %add3A_244 = arith.addf %add3A_227, %tanh3A_243 : vector<256x128xf32>
    %add3A_245 = arith.addf %slice3A_10, %bitcast_convert_type3A_241 : vector<256x128xf32>
    %tanh3A_246 = math.tanh %add3A_245 : vector<256x128xf32>
    %add3A_247 = arith.addf %add3A_230, %tanh3A_246 : vector<256x128xf32>
    %get3A_248 = arith.constant 3584 : index
    %get3A_249 = arith.constant 0 : index
    %get3A_250 = vector.load %arg2[%get3A_248, %get3A_249] : memref<6656x128xi32, #tpu.memory_space<vmem>>, vector<256x128xi32>
    %shift_left3A_251 = arith.constant 16 : i32
    %shift_left3A_252 = vector.broadcast %shift_left3A_251 : i32 to vector<256x128xi32>
    %shift_left3A_253 = arith.shli %get3A_250, %shift_left3A_252 : vector<256x128xi32>
    %bitcast_convert_type3A_254 = tpu.bitcast %shift_left3A_253 : vector<256x128xi32> -> vector<256x128xf32>
    %and3A_255 = arith.constant -65536 : i32
    %and3A_256 = vector.broadcast %and3A_255 : i32 to vector<256x128xi32>
    %and3A_257 = arith.andi %get3A_250, %and3A_256 : vector<256x128xi32>
    %bitcast_convert_type3A_258 = tpu.bitcast %and3A_257 : vector<256x128xi32> -> vector<256x128xf32>
    %add3A_259 = arith.addf %slice3A, %bitcast_convert_type3A_254 : vector<256x128xf32>
    %tanh3A_260 = math.tanh %add3A_259 : vector<256x128xf32>
    %add3A_261 = arith.addf %add3A_244, %tanh3A_260 : vector<256x128xf32>
    %add3A_262 = arith.addf %slice3A_10, %bitcast_convert_type3A_258 : vector<256x128xf32>
    %tanh3A_263 = math.tanh %add3A_262 : vector<256x128xf32>
    %add3A_264 = arith.addf %add3A_247, %tanh3A_263 : vector<256x128xf32>
    %get3A_265 = arith.constant 3840 : index
    %get3A_266 = arith.constant 0 : index
    %get3A_267 = vector.load %arg2[%get3A_265, %get3A_266] : memref<6656x128xi32, #tpu.memory_space<vmem>>, vector<256x128xi32>
    %shift_left3A_268 = arith.constant 16 : i32
    %shift_left3A_269 = vector.broadcast %shift_left3A_268 : i32 to vector<256x128xi32>
    %shift_left3A_270 = arith.shli %get3A_267, %shift_left3A_269 : vector<256x128xi32>
    %bitcast_convert_type3A_271 = tpu.bitcast %shift_left3A_270 : vector<256x128xi32> -> vector<256x128xf32>
    %and3A_272 = arith.constant -65536 : i32
    %and3A_273 = vector.broadcast %and3A_272 : i32 to vector<256x128xi32>
    %and3A_274 = arith.andi %get3A_267, %and3A_273 : vector<256x128xi32>
    %bitcast_convert_type3A_275 = tpu.bitcast %and3A_274 : vector<256x128xi32> -> vector<256x128xf32>
    %add3A_276 = arith.addf %slice3A, %bitcast_convert_type3A_271 : vector<256x128xf32>
    %tanh3A_277 = math.tanh %add3A_276 : vector<256x128xf32>
    %add3A_278 = arith.addf %add3A_261, %tanh3A_277 : vector<256x128xf32>
    %add3A_279 = arith.addf %slice3A_10, %bitcast_convert_type3A_275 : vector<256x128xf32>
    %tanh3A_280 = math.tanh %add3A_279 : vector<256x128xf32>
    %add3A_281 = arith.addf %add3A_264, %tanh3A_280 : vector<256x128xf32>
    %get3A_282 = arith.constant 4096 : index
    %get3A_283 = arith.constant 0 : index
    %get3A_284 = vector.load %arg2[%get3A_282, %get3A_283] : memref<6656x128xi32, #tpu.memory_space<vmem>>, vector<256x128xi32>
    %shift_left3A_285 = arith.constant 16 : i32
    %shift_left3A_286 = vector.broadcast %shift_left3A_285 : i32 to vector<256x128xi32>
    %shift_left3A_287 = arith.shli %get3A_284, %shift_left3A_286 : vector<256x128xi32>
    %bitcast_convert_type3A_288 = tpu.bitcast %shift_left3A_287 : vector<256x128xi32> -> vector<256x128xf32>
    %and3A_289 = arith.constant -65536 : i32
    %and3A_290 = vector.broadcast %and3A_289 : i32 to vector<256x128xi32>
    %and3A_291 = arith.andi %get3A_284, %and3A_290 : vector<256x128xi32>
    %bitcast_convert_type3A_292 = tpu.bitcast %and3A_291 : vector<256x128xi32> -> vector<256x128xf32>
    %add3A_293 = arith.addf %slice3A, %bitcast_convert_type3A_288 : vector<256x128xf32>
    %tanh3A_294 = math.tanh %add3A_293 : vector<256x128xf32>
    %add3A_295 = arith.addf %add3A_278, %tanh3A_294 : vector<256x128xf32>
    %add3A_296 = arith.addf %slice3A_10, %bitcast_convert_type3A_292 : vector<256x128xf32>
    %tanh3A_297 = math.tanh %add3A_296 : vector<256x128xf32>
    %add3A_298 = arith.addf %add3A_281, %tanh3A_297 : vector<256x128xf32>
    %get3A_299 = arith.constant 4352 : index
    %get3A_300 = arith.constant 0 : index
    %get3A_301 = vector.load %arg2[%get3A_299, %get3A_300] : memref<6656x128xi32, #tpu.memory_space<vmem>>, vector<256x128xi32>
    %shift_left3A_302 = arith.constant 16 : i32
    %shift_left3A_303 = vector.broadcast %shift_left3A_302 : i32 to vector<256x128xi32>
    %shift_left3A_304 = arith.shli %get3A_301, %shift_left3A_303 : vector<256x128xi32>
    %bitcast_convert_type3A_305 = tpu.bitcast %shift_left3A_304 : vector<256x128xi32> -> vector<256x128xf32>
    %and3A_306 = arith.constant -65536 : i32
    %and3A_307 = vector.broadcast %and3A_306 : i32 to vector<256x128xi32>
    %and3A_308 = arith.andi %get3A_301, %and3A_307 : vector<256x128xi32>
    %bitcast_convert_type3A_309 = tpu.bitcast %and3A_308 : vector<256x128xi32> -> vector<256x128xf32>
    %add3A_310 = arith.addf %slice3A, %bitcast_convert_type3A_305 : vector<256x128xf32>
    %tanh3A_311 = math.tanh %add3A_310 : vector<256x128xf32>
    %add3A_312 = arith.addf %add3A_295, %tanh3A_311 : vector<256x128xf32>
    %add3A_313 = arith.addf %slice3A_10, %bitcast_convert_type3A_309 : vector<256x128xf32>
    %tanh3A_314 = math.tanh %add3A_313 : vector<256x128xf32>
    %add3A_315 = arith.addf %add3A_298, %tanh3A_314 : vector<256x128xf32>
    %get3A_316 = arith.constant 4608 : index
    %get3A_317 = arith.constant 0 : index
    %get3A_318 = vector.load %arg2[%get3A_316, %get3A_317] : memref<6656x128xi32, #tpu.memory_space<vmem>>, vector<256x128xi32>
    %shift_left3A_319 = arith.constant 16 : i32
    %shift_left3A_320 = vector.broadcast %shift_left3A_319 : i32 to vector<256x128xi32>
    %shift_left3A_321 = arith.shli %get3A_318, %shift_left3A_320 : vector<256x128xi32>
    %bitcast_convert_type3A_322 = tpu.bitcast %shift_left3A_321 : vector<256x128xi32> -> vector<256x128xf32>
    %and3A_323 = arith.constant -65536 : i32
    %and3A_324 = vector.broadcast %and3A_323 : i32 to vector<256x128xi32>
    %and3A_325 = arith.andi %get3A_318, %and3A_324 : vector<256x128xi32>
    %bitcast_convert_type3A_326 = tpu.bitcast %and3A_325 : vector<256x128xi32> -> vector<256x128xf32>
    %add3A_327 = arith.addf %slice3A, %bitcast_convert_type3A_322 : vector<256x128xf32>
    %tanh3A_328 = math.tanh %add3A_327 : vector<256x128xf32>
    %add3A_329 = arith.addf %add3A_312, %tanh3A_328 : vector<256x128xf32>
    %add3A_330 = arith.addf %slice3A_10, %bitcast_convert_type3A_326 : vector<256x128xf32>
    %tanh3A_331 = math.tanh %add3A_330 : vector<256x128xf32>
    %add3A_332 = arith.addf %add3A_315, %tanh3A_331 : vector<256x128xf32>
    %get3A_333 = arith.constant 4864 : index
    %get3A_334 = arith.constant 0 : index
    %get3A_335 = vector.load %arg2[%get3A_333, %get3A_334] : memref<6656x128xi32, #tpu.memory_space<vmem>>, vector<256x128xi32>
    %shift_left3A_336 = arith.constant 16 : i32
    %shift_left3A_337 = vector.broadcast %shift_left3A_336 : i32 to vector<256x128xi32>
    %shift_left3A_338 = arith.shli %get3A_335, %shift_left3A_337 : vector<256x128xi32>
    %bitcast_convert_type3A_339 = tpu.bitcast %shift_left3A_338 : vector<256x128xi32> -> vector<256x128xf32>
    %and3A_340 = arith.constant -65536 : i32
    %and3A_341 = vector.broadcast %and3A_340 : i32 to vector<256x128xi32>
    %and3A_342 = arith.andi %get3A_335, %and3A_341 : vector<256x128xi32>
    %bitcast_convert_type3A_343 = tpu.bitcast %and3A_342 : vector<256x128xi32> -> vector<256x128xf32>
    %add3A_344 = arith.addf %slice3A, %bitcast_convert_type3A_339 : vector<256x128xf32>
    %tanh3A_345 = math.tanh %add3A_344 : vector<256x128xf32>
    %add3A_346 = arith.addf %add3A_329, %tanh3A_345 : vector<256x128xf32>
    %add3A_347 = arith.addf %slice3A_10, %bitcast_convert_type3A_343 : vector<256x128xf32>
    %tanh3A_348 = math.tanh %add3A_347 : vector<256x128xf32>
    %add3A_349 = arith.addf %add3A_332, %tanh3A_348 : vector<256x128xf32>
    %get3A_350 = arith.constant 5120 : index
    %get3A_351 = arith.constant 0 : index
    %get3A_352 = vector.load %arg2[%get3A_350, %get3A_351] : memref<6656x128xi32, #tpu.memory_space<vmem>>, vector<256x128xi32>
    %shift_left3A_353 = arith.constant 16 : i32
    %shift_left3A_354 = vector.broadcast %shift_left3A_353 : i32 to vector<256x128xi32>
    %shift_left3A_355 = arith.shli %get3A_352, %shift_left3A_354 : vector<256x128xi32>
    %bitcast_convert_type3A_356 = tpu.bitcast %shift_left3A_355 : vector<256x128xi32> -> vector<256x128xf32>
    %and3A_357 = arith.constant -65536 : i32
    %and3A_358 = vector.broadcast %and3A_357 : i32 to vector<256x128xi32>
    %and3A_359 = arith.andi %get3A_352, %and3A_358 : vector<256x128xi32>
    %bitcast_convert_type3A_360 = tpu.bitcast %and3A_359 : vector<256x128xi32> -> vector<256x128xf32>
    %add3A_361 = arith.addf %slice3A, %bitcast_convert_type3A_356 : vector<256x128xf32>
    %tanh3A_362 = math.tanh %add3A_361 : vector<256x128xf32>
    %add3A_363 = arith.addf %add3A_346, %tanh3A_362 : vector<256x128xf32>
    %add3A_364 = arith.addf %slice3A_10, %bitcast_convert_type3A_360 : vector<256x128xf32>
    %tanh3A_365 = math.tanh %add3A_364 : vector<256x128xf32>
    %add3A_366 = arith.addf %add3A_349, %tanh3A_365 : vector<256x128xf32>
    %get3A_367 = arith.constant 5376 : index
    %get3A_368 = arith.constant 0 : index
    %get3A_369 = vector.load %arg2[%get3A_367, %get3A_368] : memref<6656x128xi32, #tpu.memory_space<vmem>>, vector<256x128xi32>
    %shift_left3A_370 = arith.constant 16 : i32
    %shift_left3A_371 = vector.broadcast %shift_left3A_370 : i32 to vector<256x128xi32>
    %shift_left3A_372 = arith.shli %get3A_369, %shift_left3A_371 : vector<256x128xi32>
    %bitcast_convert_type3A_373 = tpu.bitcast %shift_left3A_372 : vector<256x128xi32> -> vector<256x128xf32>
    %and3A_374 = arith.constant -65536 : i32
    %and3A_375 = vector.broadcast %and3A_374 : i32 to vector<256x128xi32>
    %and3A_376 = arith.andi %get3A_369, %and3A_375 : vector<256x128xi32>
    %bitcast_convert_type3A_377 = tpu.bitcast %and3A_376 : vector<256x128xi32> -> vector<256x128xf32>
    %add3A_378 = arith.addf %slice3A, %bitcast_convert_type3A_373 : vector<256x128xf32>
    %tanh3A_379 = math.tanh %add3A_378 : vector<256x128xf32>
    %add3A_380 = arith.addf %add3A_363, %tanh3A_379 : vector<256x128xf32>
    %add3A_381 = arith.addf %slice3A_10, %bitcast_convert_type3A_377 : vector<256x128xf32>
    %tanh3A_382 = math.tanh %add3A_381 : vector<256x128xf32>
    %add3A_383 = arith.addf %add3A_366, %tanh3A_382 : vector<256x128xf32>
    %get3A_384 = arith.constant 5632 : index
    %get3A_385 = arith.constant 0 : index
    %get3A_386 = vector.load %arg2[%get3A_384, %get3A_385] : memref<6656x128xi32, #tpu.memory_space<vmem>>, vector<256x128xi32>
    %shift_left3A_387 = arith.constant 16 : i32
    %shift_left3A_388 = vector.broadcast %shift_left3A_387 : i32 to vector<256x128xi32>
    %shift_left3A_389 = arith.shli %get3A_386, %shift_left3A_388 : vector<256x128xi32>
    %bitcast_convert_type3A_390 = tpu.bitcast %shift_left3A_389 : vector<256x128xi32> -> vector<256x128xf32>
    %and3A_391 = arith.constant -65536 : i32
    %and3A_392 = vector.broadcast %and3A_391 : i32 to vector<256x128xi32>
    %and3A_393 = arith.andi %get3A_386, %and3A_392 : vector<256x128xi32>
    %bitcast_convert_type3A_394 = tpu.bitcast %and3A_393 : vector<256x128xi32> -> vector<256x128xf32>
    %add3A_395 = arith.addf %slice3A, %bitcast_convert_type3A_390 : vector<256x128xf32>
    %tanh3A_396 = math.tanh %add3A_395 : vector<256x128xf32>
    %add3A_397 = arith.addf %add3A_380, %tanh3A_396 : vector<256x128xf32>
    %add3A_398 = arith.addf %slice3A_10, %bitcast_convert_type3A_394 : vector<256x128xf32>
    %tanh3A_399 = math.tanh %add3A_398 : vector<256x128xf32>
    %add3A_400 = arith.addf %add3A_383, %tanh3A_399 : vector<256x128xf32>
    %get3A_401 = arith.constant 5888 : index
    %get3A_402 = arith.constant 0 : index
    %get3A_403 = vector.load %arg2[%get3A_401, %get3A_402] : memref<6656x128xi32, #tpu.memory_space<vmem>>, vector<256x128xi32>
    %shift_left3A_404 = arith.constant 16 : i32
    %shift_left3A_405 = vector.broadcast %shift_left3A_404 : i32 to vector<256x128xi32>
    %shift_left3A_406 = arith.shli %get3A_403, %shift_left3A_405 : vector<256x128xi32>
    %bitcast_convert_type3A_407 = tpu.bitcast %shift_left3A_406 : vector<256x128xi32> -> vector<256x128xf32>
    %and3A_408 = arith.constant -65536 : i32
    %and3A_409 = vector.broadcast %and3A_408 : i32 to vector<256x128xi32>
    %and3A_410 = arith.andi %get3A_403, %and3A_409 : vector<256x128xi32>
    %bitcast_convert_type3A_411 = tpu.bitcast %and3A_410 : vector<256x128xi32> -> vector<256x128xf32>
    %add3A_412 = arith.addf %slice3A, %bitcast_convert_type3A_407 : vector<256x128xf32>
    %tanh3A_413 = math.tanh %add3A_412 : vector<256x128xf32>
    %add3A_414 = arith.addf %add3A_397, %tanh3A_413 : vector<256x128xf32>
    %add3A_415 = arith.addf %slice3A_10, %bitcast_convert_type3A_411 : vector<256x128xf32>
    %tanh3A_416 = math.tanh %add3A_415 : vector<256x128xf32>
    %add3A_417 = arith.addf %add3A_400, %tanh3A_416 : vector<256x128xf32>
    %get3A_418 = arith.constant 6144 : index
    %get3A_419 = arith.constant 0 : index
    %get3A_420 = vector.load %arg2[%get3A_418, %get3A_419] : memref<6656x128xi32, #tpu.memory_space<vmem>>, vector<256x128xi32>
    %shift_left3A_421 = arith.constant 16 : i32
    %shift_left3A_422 = vector.broadcast %shift_left3A_421 : i32 to vector<256x128xi32>
    %shift_left3A_423 = arith.shli %get3A_420, %shift_left3A_422 : vector<256x128xi32>
    %bitcast_convert_type3A_424 = tpu.bitcast %shift_left3A_423 : vector<256x128xi32> -> vector<256x128xf32>
    %and3A_425 = arith.constant -65536 : i32
    %and3A_426 = vector.broadcast %and3A_425 : i32 to vector<256x128xi32>
    %and3A_427 = arith.andi %get3A_420, %and3A_426 : vector<256x128xi32>
    %bitcast_convert_type3A_428 = tpu.bitcast %and3A_427 : vector<256x128xi32> -> vector<256x128xf32>
    %add3A_429 = arith.addf %slice3A, %bitcast_convert_type3A_424 : vector<256x128xf32>
    %tanh3A_430 = math.tanh %add3A_429 : vector<256x128xf32>
    %add3A_431 = arith.addf %add3A_414, %tanh3A_430 : vector<256x128xf32>
    %add3A_432 = arith.addf %slice3A_10, %bitcast_convert_type3A_428 : vector<256x128xf32>
    %tanh3A_433 = math.tanh %add3A_432 : vector<256x128xf32>
    %add3A_434 = arith.addf %add3A_417, %tanh3A_433 : vector<256x128xf32>
    %get3A_435 = arith.constant 6400 : index
    %get3A_436 = arith.constant 0 : index
    %get3A_437 = vector.load %arg2[%get3A_435, %get3A_436] : memref<6656x128xi32, #tpu.memory_space<vmem>>, vector<256x128xi32>
    %shift_left3A_438 = arith.constant 16 : i32
    %shift_left3A_439 = vector.broadcast %shift_left3A_438 : i32 to vector<256x128xi32>
    %shift_left3A_440 = arith.shli %get3A_437, %shift_left3A_439 : vector<256x128xi32>
    %bitcast_convert_type3A_441 = tpu.bitcast %shift_left3A_440 : vector<256x128xi32> -> vector<256x128xf32>
    %and3A_442 = arith.constant -65536 : i32
    %and3A_443 = vector.broadcast %and3A_442 : i32 to vector<256x128xi32>
    %and3A_444 = arith.andi %get3A_437, %and3A_443 : vector<256x128xi32>
    %bitcast_convert_type3A_445 = tpu.bitcast %and3A_444 : vector<256x128xi32> -> vector<256x128xf32>
    %add3A_446 = arith.addf %slice3A, %bitcast_convert_type3A_441 : vector<256x128xf32>
    %tanh3A_447 = math.tanh %add3A_446 : vector<256x128xf32>
    %add3A_448 = arith.addf %add3A_431, %tanh3A_447 : vector<256x128xf32>
    %add3A_449 = arith.addf %slice3A_10, %bitcast_convert_type3A_445 : vector<256x128xf32>
    %tanh3A_450 = math.tanh %add3A_449 : vector<256x128xf32>
    %add3A_451 = arith.addf %add3A_434, %tanh3A_450 : vector<256x128xf32>
    %concatenate3A = tpu.concatenate %add3A_448, %add3A_451 in 1 : vector<256x128xf32>, vector<256x128xf32> -> vector<256x256xf32>
    %mul3A = arith.constant 0.0384615399 : f32
    %mul3A_452 = vector.broadcast %mul3A : f32 to vector<256x256xf32>
    %mul3A_453 = arith.mulf %concatenate3A, %mul3A_452 : vector<256x256xf32>
    %get3A_454 = arith.constant 0 : index
    %get3A_455 = arith.constant 0 : index
    %get3A_456 = vector.load %arg3[%get3A_454, %get3A_455] : memref<256x26xi32, #tpu.memory_space<vmem>>, vector<256x26xi32>
    %and3A_457 = arith.constant 1023 : i32
    %and3A_458 = vector.broadcast %and3A_457 : i32 to vector<256x26xi32>
    %and3A_459 = arith.andi %get3A_456, %and3A_458 : vector<256x26xi32>
    %convert_element_type3A_460 = arith.sitofp %and3A_459 : vector<256x26xi32> to vector<256x26xf32>
    %reduce_sum3A = arith.constant dense<0.000000e+00> : vector<256xf32>
    %reduce_sum3A_461 = vector.multi_reduction <add>, %convert_element_type3A_460, %reduce_sum3A [1] : vector<256x26xf32> to vector<256xf32>
    %broadcast_in_dim3A_462 = vector.shape_cast %reduce_sum3A_461 : vector<256xf32> to vector<256x1xf32>
    %shift_right_arithmetic3A = arith.constant 10 : i32
    %shift_right_arithmetic3A_463 = vector.broadcast %shift_right_arithmetic3A : i32 to vector<256x26xi32>
    %shift_right_arithmetic3A_464 = arith.shrsi %get3A_456, %shift_right_arithmetic3A_463 : vector<256x26xi32>
    %and3A_465 = arith.constant 1023 : i32
    %and3A_466 = vector.broadcast %and3A_465 : i32 to vector<256x26xi32>
    %and3A_467 = arith.andi %shift_right_arithmetic3A_464, %and3A_466 : vector<256x26xi32>
    %convert_element_type3A_468 = arith.sitofp %and3A_467 : vector<256x26xi32> to vector<256x26xf32>
    %reduce_sum3A_469 = arith.constant dense<0.000000e+00> : vector<256xf32>
    %reduce_sum3A_470 = vector.multi_reduction <add>, %convert_element_type3A_468, %reduce_sum3A_469 [1] : vector<256x26xf32> to vector<256xf32>
    %broadcast_in_dim3A_471 = vector.shape_cast %reduce_sum3A_470 : vector<256xf32> to vector<256x1xf32>
    %shift_right_arithmetic3A_472 = arith.constant 20 : i32
    %shift_right_arithmetic3A_473 = vector.broadcast %shift_right_arithmetic3A_472 : i32 to vector<256x26xi32>
    %shift_right_arithmetic3A_474 = arith.shrsi %get3A_456, %shift_right_arithmetic3A_473 : vector<256x26xi32>
    %and3A_475 = arith.constant 1023 : i32
    %and3A_476 = vector.broadcast %and3A_475 : i32 to vector<256x26xi32>
    %and3A_477 = arith.andi %shift_right_arithmetic3A_474, %and3A_476 : vector<256x26xi32>
    %convert_element_type3A_478 = arith.sitofp %and3A_477 : vector<256x26xi32> to vector<256x26xf32>
    %reduce_sum3A_479 = arith.constant dense<0.000000e+00> : vector<256xf32>
    %reduce_sum3A_480 = vector.multi_reduction <add>, %convert_element_type3A_478, %reduce_sum3A_479 [1] : vector<256x26xf32> to vector<256xf32>
    %broadcast_in_dim3A_481 = vector.shape_cast %reduce_sum3A_480 : vector<256xf32> to vector<256x1xf32>
    %get3A_482 = arith.constant 0 : index
    %get3A_483 = arith.constant 0 : index
    %get3A_484 = vector.load %arg10[%get3A_482, %get3A_483] : memref<256x8xbf16, #tpu.memory_space<vmem>>, vector<256x8xbf16>
    %dot_general3A_485 = arith.constant dense<0.000000e+00> : vector<256x8xf32>
    %dot_general3A_486 = tpu.matmul %convert_element_type3A, %get3A_484, %dot_general3A_485 {dimension_numbers = #tpu.dot_dimension_numbers<[1], [0], [0], [1], [0, 0, 1, 1], [], []>, transpose_lhs_hint = false} : vector<256x256xbf16>, vector<256x8xbf16>, vector<256x8xf32> -> vector<256x8xf32>
    %get3A_487 = arith.constant 0 : index
    %get3A_488 = arith.constant 0 : index
    %get3A_489 = vector.load %arg16[%get3A_487, %get3A_488] : memref<1x8xf32, #tpu.memory_space<vmem>>, vector<1x8xf32>
    %add3A_490 = vector.broadcast %get3A_489 : vector<1x8xf32> to vector<256x8xf32>
    %add3A_491 = arith.addf %dot_general3A_486, %add3A_490 : vector<256x8xf32>
    %slice3A_492 = vector.extract_strided_slice %add3A_491 {offsets = [0, 0], sizes = [256, 1], strides = [1, 1]} : vector<256x8xf32> to vector<256x1xf32>
    %mul3A_493 = arith.constant 3.00774496E-4 : f32
    %mul3A_494 = vector.broadcast %mul3A_493 : f32 to vector<256x1xf32>
    %mul3A_495 = arith.mulf %broadcast_in_dim3A_462, %mul3A_494 : vector<256x1xf32>
    %add3A_496 = arith.addf %slice3A_492, %mul3A_495 : vector<256x1xf32>
    %sub3A = arith.constant 4.000000e+00 : f32
    %sub3A_497 = vector.broadcast %sub3A : f32 to vector<256x1xf32>
    %sub3A_498 = arith.subf %add3A_496, %sub3A_497 : vector<256x1xf32>
    %slice3A_499 = vector.extract_strided_slice %add3A_491 {offsets = [0, 1], sizes = [256, 1], strides = [1, 1]} : vector<256x8xf32> to vector<256x1xf32>
    %mul3A_500 = arith.constant 3.00774496E-4 : f32
    %mul3A_501 = vector.broadcast %mul3A_500 : f32 to vector<256x1xf32>
    %mul3A_502 = arith.mulf %broadcast_in_dim3A_471, %mul3A_501 : vector<256x1xf32>
    %add3A_503 = arith.addf %slice3A_499, %mul3A_502 : vector<256x1xf32>
    %sub3A_504 = arith.constant 4.000000e+00 : f32
    %sub3A_505 = vector.broadcast %sub3A_504 : f32 to vector<256x1xf32>
    %sub3A_506 = arith.subf %add3A_503, %sub3A_505 : vector<256x1xf32>
    %slice3A_507 = vector.extract_strided_slice %add3A_491 {offsets = [0, 2], sizes = [256, 1], strides = [1, 1]} : vector<256x8xf32> to vector<256x1xf32>
    %mul3A_508 = arith.constant 3.00774496E-4 : f32
    %mul3A_509 = vector.broadcast %mul3A_508 : f32 to vector<256x1xf32>
    %mul3A_510 = arith.mulf %broadcast_in_dim3A_481, %mul3A_509 : vector<256x1xf32>
    %add3A_511 = arith.addf %slice3A_507, %mul3A_510 : vector<256x1xf32>
    %sub3A_512 = arith.constant 4.000000e+00 : f32
    %sub3A_513 = vector.broadcast %sub3A_512 : f32 to vector<256x1xf32>
    %sub3A_514 = arith.subf %add3A_511, %sub3A_513 : vector<256x1xf32>
    %max3A = arith.maximumf %sub3A_498, %sub3A_506 : vector<256x1xf32>
    %max3A_515 = arith.maximumf %max3A, %sub3A_514 : vector<256x1xf32>
    %sub3A_516 = arith.subf %sub3A_498, %max3A_515 : vector<256x1xf32>
    %exp3A = math.exp %sub3A_516 : vector<256x1xf32>
    %sub3A_517 = arith.subf %sub3A_506, %max3A_515 : vector<256x1xf32>
    %exp3A_518 = math.exp %sub3A_517 : vector<256x1xf32>
    %sub3A_519 = arith.subf %sub3A_514, %max3A_515 : vector<256x1xf32>
    %exp3A_520 = math.exp %sub3A_519 : vector<256x1xf32>
    %add3A_521 = arith.addf %exp3A, %exp3A_518 : vector<256x1xf32>
    %add3A_522 = arith.addf %add3A_521, %exp3A_520 : vector<256x1xf32>
    %get3A_523 = arith.constant 0 : index
    %get3A_524 = arith.constant 0 : index
    %get3A_525 = vector.load %arg5[%get3A_523, %get3A_524] : memref<256x256xbf16, #tpu.memory_space<vmem>>, vector<256x256xbf16>
    %dot_general3A_526 = arith.constant dense<0.000000e+00> : vector<256x256xf32>
    %dot_general3A_527 = tpu.matmul %convert_element_type3A, %get3A_525, %dot_general3A_526 {dimension_numbers = #tpu.dot_dimension_numbers<[1], [0], [0], [1], [0, 0, 1, 1], [], []>, transpose_lhs_hint = false} : vector<256x256xbf16>, vector<256x256xbf16>, vector<256x256xf32> -> vector<256x256xf32>
    %get3A_528 = arith.constant 0 : index
    %get3A_529 = arith.constant 0 : index
    %get3A_530 = vector.load %arg12[%get3A_528, %get3A_529] : memref<1x256xf32, #tpu.memory_space<vmem>>, vector<1x256xf32>
    %add3A_531 = vector.broadcast %get3A_530 : vector<1x256xf32> to vector<256x256xf32>
    %add3A_532 = arith.addf %dot_general3A_527, %add3A_531 : vector<256x256xf32>
    %tanh3A_533 = math.tanh %add3A_532 : vector<256x256xf32>
    %get3A_534 = arith.constant 0 : index
    %get3A_535 = arith.constant 0 : index
    %get3A_536 = vector.load %arg6[%get3A_534, %get3A_535] : memref<256x256xbf16, #tpu.memory_space<vmem>>, vector<256x256xbf16>
    %dot_general3A_537 = arith.constant dense<0.000000e+00> : vector<256x256xf32>
    %dot_general3A_538 = tpu.matmul %convert_element_type3A, %get3A_536, %dot_general3A_537 {dimension_numbers = #tpu.dot_dimension_numbers<[1], [0], [0], [1], [0, 0, 1, 1], [], []>, transpose_lhs_hint = false} : vector<256x256xbf16>, vector<256x256xbf16>, vector<256x256xf32> -> vector<256x256xf32>
    %convert_element_type3A_539 = arith.truncf %mul3A_453 : vector<256x256xf32> to vector<256x256xbf16>
    %get3A_540 = arith.constant 0 : index
    %get3A_541 = arith.constant 0 : index
    %get3A_542 = vector.load %arg7[%get3A_540, %get3A_541] : memref<256x256xbf16, #tpu.memory_space<vmem>>, vector<256x256xbf16>
    %dot_general3A_543 = arith.constant dense<0.000000e+00> : vector<256x256xf32>
    %dot_general3A_544 = tpu.matmul %convert_element_type3A_539, %get3A_542, %dot_general3A_543 {dimension_numbers = #tpu.dot_dimension_numbers<[1], [0], [0], [1], [0, 0, 1, 1], [], []>, transpose_lhs_hint = false} : vector<256x256xbf16>, vector<256x256xbf16>, vector<256x256xf32> -> vector<256x256xf32>
    %add3A_545 = arith.addf %dot_general3A_538, %dot_general3A_544 : vector<256x256xf32>
    %get3A_546 = arith.constant 0 : index
    %get3A_547 = arith.constant 0 : index
    %get3A_548 = vector.load %arg13[%get3A_546, %get3A_547] : memref<1x256xf32, #tpu.memory_space<vmem>>, vector<1x256xf32>
    %add3A_549 = vector.broadcast %get3A_548 : vector<1x256xf32> to vector<256x256xf32>
    %add3A_550 = arith.addf %add3A_545, %add3A_549 : vector<256x256xf32>
    %tanh3A_551 = math.tanh %add3A_550 : vector<256x256xf32>
    %convert_element_type3A_552 = arith.truncf %get3A_1 : vector<256x256xf32> to vector<256x256xbf16>
    %get3A_553 = arith.constant 0 : index
    %get3A_554 = arith.constant 0 : index
    %get3A_555 = vector.load %arg8[%get3A_553, %get3A_554] : memref<256x512xbf16, #tpu.memory_space<vmem>>, vector<256x512xbf16>
    %dot_general3A_556 = arith.constant dense<0.000000e+00> : vector<256x512xf32>
    %dot_general3A_557 = tpu.matmul %convert_element_type3A_552, %get3A_555, %dot_general3A_556 {dimension_numbers = #tpu.dot_dimension_numbers<[1], [0], [0], [1], [0, 0, 1, 1], [], []>, transpose_lhs_hint = false} : vector<256x256xbf16>, vector<256x512xbf16>, vector<256x512xf32> -> vector<256x512xf32>
    %get3A_558 = arith.constant 0 : index
    %get3A_559 = arith.constant 0 : index
    %get3A_560 = vector.load %arg14[%get3A_558, %get3A_559] : memref<1x512xf32, #tpu.memory_space<vmem>>, vector<1x512xf32>
    %add3A_561 = vector.broadcast %get3A_560 : vector<1x512xf32> to vector<256x512xf32>
    %add3A_562 = arith.addf %dot_general3A_557, %add3A_561 : vector<256x512xf32>
    %tanh3A_563 = math.tanh %add3A_562 : vector<256x512xf32>
    %convert_element_type3A_564 = arith.truncf %tanh3A_563 : vector<256x512xf32> to vector<256x512xbf16>
    %get3A_565 = arith.constant 0 : index
    %get3A_566 = arith.constant 0 : index
    %get3A_567 = vector.load %arg9[%get3A_565, %get3A_566] : memref<512x256xbf16, #tpu.memory_space<vmem>>, vector<512x256xbf16>
    %dot_general3A_568 = arith.constant dense<0.000000e+00> : vector<256x256xf32>
    %dot_general3A_569 = tpu.matmul %convert_element_type3A_564, %get3A_567, %dot_general3A_568 {dimension_numbers = #tpu.dot_dimension_numbers<[1], [0], [0], [1], [0, 0, 1, 1], [], []>, transpose_lhs_hint = false} : vector<256x512xbf16>, vector<512x256xbf16>, vector<256x256xf32> -> vector<256x256xf32>
    %get3A_570 = arith.constant 0 : index
    %get3A_571 = arith.constant 0 : index
    %get3A_572 = vector.load %arg15[%get3A_570, %get3A_571] : memref<1x256xf32, #tpu.memory_space<vmem>>, vector<1x256xf32>
    %add3A_573 = vector.broadcast %get3A_572 : vector<1x256xf32> to vector<256x256xf32>
    %add3A_574 = arith.addf %dot_general3A_569, %add3A_573 : vector<256x256xf32>
    %mul3A_575 = arith.constant 1.000000e-01 : f32
    %mul3A_576 = vector.broadcast %mul3A_575 : f32 to vector<256x256xf32>
    %mul3A_577 = arith.mulf %mul3A_576, %add3A_574 : vector<256x256xf32>
    %add3A_578 = arith.addf %get3A_1, %mul3A_577 : vector<256x256xf32>
    %convert_element_type3A_579 = arith.truncf %add3A_578 : vector<256x256xf32> to vector<256x256xbf16>
    %get3A_580 = arith.constant 0 : index
    %get3A_581 = arith.constant 0 : index
    %get3A_582 = vector.load %arg8[%get3A_580, %get3A_581] : memref<256x512xbf16, #tpu.memory_space<vmem>>, vector<256x512xbf16>
    %dot_general3A_583 = arith.constant dense<0.000000e+00> : vector<256x512xf32>
    %dot_general3A_584 = tpu.matmul %convert_element_type3A_579, %get3A_582, %dot_general3A_583 {dimension_numbers = #tpu.dot_dimension_numbers<[1], [0], [0], [1], [0, 0, 1, 1], [], []>, transpose_lhs_hint = false} : vector<256x256xbf16>, vector<256x512xbf16>, vector<256x512xf32> -> vector<256x512xf32>
    %get3A_585 = arith.constant 0 : index
    %get3A_586 = arith.constant 0 : index
    %get3A_587 = vector.load %arg14[%get3A_585, %get3A_586] : memref<1x512xf32, #tpu.memory_space<vmem>>, vector<1x512xf32>
    %add3A_588 = vector.broadcast %get3A_587 : vector<1x512xf32> to vector<256x512xf32>
    %add3A_589 = arith.addf %dot_general3A_584, %add3A_588 : vector<256x512xf32>
    %tanh3A_590 = math.tanh %add3A_589 : vector<256x512xf32>
    %convert_element_type3A_591 = arith.truncf %tanh3A_590 : vector<256x512xf32> to vector<256x512xbf16>
    %get3A_592 = arith.constant 0 : index
    %get3A_593 = arith.constant 0 : index
    %get3A_594 = vector.load %arg9[%get3A_592, %get3A_593] : memref<512x256xbf16, #tpu.memory_space<vmem>>, vector<512x256xbf16>
    %dot_general3A_595 = arith.constant dense<0.000000e+00> : vector<256x256xf32>
    %dot_general3A_596 = tpu.matmul %convert_element_type3A_591, %get3A_594, %dot_general3A_595 {dimension_numbers = #tpu.dot_dimension_numbers<[1], [0], [0], [1], [0, 0, 1, 1], [], []>, transpose_lhs_hint = false} : vector<256x512xbf16>, vector<512x256xbf16>, vector<256x256xf32> -> vector<256x256xf32>
    %get3A_597 = arith.constant 0 : index
    %get3A_598 = arith.constant 0 : index
    %get3A_599 = vector.load %arg15[%get3A_597, %get3A_598] : memref<1x256xf32, #tpu.memory_space<vmem>>, vector<1x256xf32>
    %add3A_600 = vector.broadcast %get3A_599 : vector<1x256xf32> to vector<256x256xf32>
    %add3A_601 = arith.addf %dot_general3A_596, %add3A_600 : vector<256x256xf32>
    %mul3A_602 = arith.constant 1.000000e-01 : f32
    %mul3A_603 = vector.broadcast %mul3A_602 : f32 to vector<256x256xf32>
    %mul3A_604 = arith.mulf %mul3A_603, %add3A_601 : vector<256x256xf32>
    %add3A_605 = arith.addf %add3A_578, %mul3A_604 : vector<256x256xf32>
    %convert_element_type3A_606 = arith.truncf %add3A_605 : vector<256x256xf32> to vector<256x256xbf16>
    %get3A_607 = arith.constant 0 : index
    %get3A_608 = arith.constant 0 : index
    %get3A_609 = vector.load %arg8[%get3A_607, %get3A_608] : memref<256x512xbf16, #tpu.memory_space<vmem>>, vector<256x512xbf16>
    %dot_general3A_610 = arith.constant dense<0.000000e+00> : vector<256x512xf32>
    %dot_general3A_611 = tpu.matmul %convert_element_type3A_606, %get3A_609, %dot_general3A_610 {dimension_numbers = #tpu.dot_dimension_numbers<[1], [0], [0], [1], [0, 0, 1, 1], [], []>, transpose_lhs_hint = false} : vector<256x256xbf16>, vector<256x512xbf16>, vector<256x512xf32> -> vector<256x512xf32>
    %get3A_612 = arith.constant 0 : index
    %get3A_613 = arith.constant 0 : index
    %get3A_614 = vector.load %arg14[%get3A_612, %get3A_613] : memref<1x512xf32, #tpu.memory_space<vmem>>, vector<1x512xf32>
    %add3A_615 = vector.broadcast %get3A_614 : vector<1x512xf32> to vector<256x512xf32>
    %add3A_616 = arith.addf %dot_general3A_611, %add3A_615 : vector<256x512xf32>
    %tanh3A_617 = math.tanh %add3A_616 : vector<256x512xf32>
    %convert_element_type3A_618 = arith.truncf %tanh3A_617 : vector<256x512xf32> to vector<256x512xbf16>
    %get3A_619 = arith.constant 0 : index
    %get3A_620 = arith.constant 0 : index
    %get3A_621 = vector.load %arg9[%get3A_619, %get3A_620] : memref<512x256xbf16, #tpu.memory_space<vmem>>, vector<512x256xbf16>
    %dot_general3A_622 = arith.constant dense<0.000000e+00> : vector<256x256xf32>
    %dot_general3A_623 = tpu.matmul %convert_element_type3A_618, %get3A_621, %dot_general3A_622 {dimension_numbers = #tpu.dot_dimension_numbers<[1], [0], [0], [1], [0, 0, 1, 1], [], []>, transpose_lhs_hint = false} : vector<256x512xbf16>, vector<512x256xbf16>, vector<256x256xf32> -> vector<256x256xf32>
    %get3A_624 = arith.constant 0 : index
    %get3A_625 = arith.constant 0 : index
    %get3A_626 = vector.load %arg15[%get3A_624, %get3A_625] : memref<1x256xf32, #tpu.memory_space<vmem>>, vector<1x256xf32>
    %add3A_627 = vector.broadcast %get3A_626 : vector<1x256xf32> to vector<256x256xf32>
    %add3A_628 = arith.addf %dot_general3A_623, %add3A_627 : vector<256x256xf32>
    %mul3A_629 = arith.constant 1.000000e-01 : f32
    %mul3A_630 = vector.broadcast %mul3A_629 : f32 to vector<256x256xf32>
    %mul3A_631 = arith.mulf %mul3A_630, %add3A_628 : vector<256x256xf32>
    %add3A_632 = arith.addf %add3A_605, %mul3A_631 : vector<256x256xf32>
    %mul3A_633 = vector.broadcast %exp3A : vector<256x1xf32> to vector<256x256xf32>
    %mul3A_634 = arith.mulf %mul3A_633, %tanh3A_533 : vector<256x256xf32>
    %mul3A_635 = vector.broadcast %exp3A_518 : vector<256x1xf32> to vector<256x256xf32>
    %mul3A_636 = arith.mulf %mul3A_635, %tanh3A_551 : vector<256x256xf32>
    %add3A_637 = arith.addf %mul3A_634, %mul3A_636 : vector<256x256xf32>
    %mul3A_638 = vector.broadcast %exp3A_520 : vector<256x1xf32> to vector<256x256xf32>
    %mul3A_639 = arith.mulf %mul3A_638, %add3A_632 : vector<256x256xf32>
    %add3A_640 = arith.addf %add3A_637, %mul3A_639 : vector<256x256xf32>
    %div3A = vector.broadcast %add3A_522 : vector<256x1xf32> to vector<256x256xf32>
    %div3A_641 = arith.divf %add3A_640, %div3A : vector<256x256xf32>
    %swap3A = arith.constant 0 : index
    %swap3A_642 = arith.constant 0 : index
    %swap3A_643 = vector.load %arg17[%swap3A, %swap3A_642] : memref<256x256xf32, #tpu.memory_space<vmem>>, vector<256x256xf32>
    tpu.vector_store %arg17[%swap3A, %swap3A_642], %div3A_641 {strides = array<i32>} : memref<256x256xf32, #tpu.memory_space<vmem>>, vector<256x256xf32>,
    return
  }
  func.func @transform_0(%arg0: i32) -> (i32, i32) {
    %c0_i32 = arith.constant 0 : i32
    %c0_i32_0 = arith.constant 0 : i32
    return %arg0, %c0_i32 : i32, i32
  }
  func.func @transform_1(%arg0: i32) -> (i32, i32) {
    %c0_i32 = arith.constant 0 : i32
    %c0_i32_0 = arith.constant 0 : i32
    return %arg0, %c0_i32 : i32, i32
  }
  func.func @transform_2(%arg0: i32) -> (i32, i32) {
    %c0_i32 = arith.constant 0 : i32
    %c0_i32_0 = arith.constant 0 : i32
    return %arg0, %c0_i32 : i32, i32
  }
  func.func @transform_3(%arg0: i32) -> (i32, i32) {
    %c0_i32 = arith.constant 0 : i32
    %c0_i32_0 = arith.constant 0 : i32
    %c0_i32_1 = arith.constant 0 : i32
    return %c0_i32, %c0_i32_0 : i32, i32
  }
  func.func @transform_4(%arg0: i32) -> (i32, i32) {
    %c0_i32 = arith.constant 0 : i32
    %c0_i32_0 = arith.constant 0 : i32
    %c0_i32_1 = arith.constant 0 : i32
    return %c0_i32, %c0_i32_0 : i32, i32
  }
  func.func @transform_5(%arg0: i32) -> (i32, i32) {
    %c0_i32 = arith.constant 0 : i32
    %c0_i32_0 = arith.constant 0 : i32
    %c0_i32_1 = arith.constant 0 : i32
    return %c0_i32, %c0_i32_0 : i32, i32
  }
  func.func @transform_6(%arg0: i32) -> (i32, i32) {
    %c0_i32 = arith.constant 0 : i32
    %c0_i32_0 = arith.constant 0 : i32
    %c0_i32_1 = arith.constant 0 : i32
    return %c0_i32, %c0_i32_0 : i32, i32
  }
  func.func @transform_7(%arg0: i32) -> (i32, i32) {
    %c0_i32 = arith.constant 0 : i32
    %c0_i32_0 = arith.constant 0 : i32
    %c0_i32_1 = arith.constant 0 : i32
    return %c0_i32, %c0_i32_0 : i32, i32
  }
  func.func @transform_8(%arg0: i32) -> (i32, i32) {
    %c0_i32 = arith.constant 0 : i32
    %c0_i32_0 = arith.constant 0 : i32
    %c0_i32_1 = arith.constant 0 : i32
    return %c0_i32, %c0_i32_0 : i32, i32
  }
  func.func @transform_9(%arg0: i32) -> (i32, i32) {
    %c0_i32 = arith.constant 0 : i32
    %c0_i32_0 = arith.constant 0 : i32
    %c0_i32_1 = arith.constant 0 : i32
    return %c0_i32, %c0_i32_0 : i32, i32
  }
  func.func @transform_10(%arg0: i32) -> (i32, i32) {
    %c0_i32 = arith.constant 0 : i32
    %c0_i32_0 = arith.constant 0 : i32
    %c0_i32_1 = arith.constant 0 : i32
    return %c0_i32, %c0_i32_0 : i32, i32
  }
  func.func @transform_11(%arg0: i32) -> (i32, i32) {
    %c0_i32 = arith.constant 0 : i32
    %c0_i32_0 = arith.constant 0 : i32
    %c0_i32_1 = arith.constant 0 : i32
    return %c0_i32, %c0_i32_0 : i32, i32
  }
  func.func @transform_12(%arg0: i32) -> (i32, i32) {
    %c0_i32 = arith.constant 0 : i32
    %c0_i32_0 = arith.constant 0 : i32
    %c0_i32_1 = arith.constant 0 : i32
    return %c0_i32, %c0_i32_0 : i32, i32
  }
  func.func @transform_13(%arg0: i32) -> (i32, i32) {
    %c0_i32 = arith.constant 0 : i32
    %c0_i32_0 = arith.constant 0 : i32
    %c0_i32_1 = arith.constant 0 : i32
    return %c0_i32, %c0_i32_0 : i32, i32
  }
  func.func @transform_14(%arg0: i32) -> (i32, i32) {
    %c0_i32 = arith.constant 0 : i32
    %c0_i32_0 = arith.constant 0 : i32
    %c0_i32_1 = arith.constant 0 : i32
    return %c0_i32, %c0_i32_0 : i32, i32
  }
  func.func @transform_15(%arg0: i32) -> (i32, i32) {
    %c0_i32 = arith.constant 0 : i32
    %c0_i32_0 = arith.constant 0 : i32
    %c0_i32_1 = arith.constant 0 : i32
    return %c0_i32, %c0_i32_0 : i32, i32
  }
  func.func @transform_16(%arg0: i32) -> (i32, i32) {
    %c0_i32 = arith.constant 0 : i32
    %c0_i32_0 = arith.constant 0 : i32
    return %arg0, %c0_i32 : i32, i32
  }
}

</mosaic_0001>

<sc_bundles>
// kernel: kernel.5.cloned.1.call-start
scs
__scs_entry_jumppad:
0x0: {  	(pc) =	sbr.rel $0x88, $3  }
0x1: {  	(tag) =	ssettag $0x0;
	lr =	simm.s32 $0x1  }
0x2: {  	[smem:$0x3F92] =	sst lr;
	_ =	strace $0xD0000000  }
0x3: {  	_ = 	snop  }
0x4: {  	_ = 	snop  }
0x5: {  	_ = 	snop  }
0x6: {  	_ = 	snop  }
0x7: {  	_ = 	snop  }
__scs_overlays_trampoline_lowered:
0x8: {  	[smem:$0x3FA1] =	sst s0  }
0x9: {  	[smem:$0x3FA2] =	sst s1  }
0xa: {  	[smem:$0x3FA3] =	sst s2  }
0xb: {  	[smem:$0x3FA4] =	sst s3  }
0xc: {  	[smem:$0x3FA5] =	sst s4  }
0xd: {  	[smem:$0x3FA6] =	sst s5  }
0xe: {  	[smem:$0x3FA7] =	sst s6  }
0xf: {  	[smem:$0x3FA8] =	sst s7  }
0x10: {  	[smem:$0x3FA9] =	sst s8  }
0x11: {  	[smem:$0x3FAA] =	sst s9;
	s0 =	simm.s32 @!p0 $0x0  }
0x12: {  	s1 =	sld [smem:$0x3F90];
	s0 =	simm.s32 @p0 $0x1  }
0x13: {  	[smem:$0x3FAB] =	sst s0;
	s0 =	simm.s32 @!p1 $0x0  }
0x14: {  	s2 =	sld [smem:$0x3F8F];
	s0 =	simm.s32 @p1 $0x1  }
0x15: {  	[smem:$0x3FAC] =	sst s0;
	s0 =	simm.s32 @!p2 $0x0  }
0x16: {  	s3 =	sld [smem:$0x3FDB];
	s0 =	simm.s32 @p2 $0x1  }
0x17: {  	s4 =	simm.s32 $0x1BF5;
	[smem:$0x3FAE] =	sst s0  }
0x18: {  	s0 =	sld [smem:$0x3F91];
	_ =	swait.ge [sflag:s4], $0x0  }
0x19: {  	s7 =	sld [smem:$0x3F92]  }
0x1a: {  	s8 =	sadd.s32 $0xFFFFE003, lr  }
0x1b: {  	s9 =	sadd.s32 $0xFFFFFEF7, lr;
	s5 =	simm.s32 $0xFFFFFFFF;
	p2 =	slt.u32 s8, $0xFFFFF086  }
0x1c: {  	p1 =	slt.u32 s9, $0xF7A;
	s5 =	simm.s32 @!p2 $0x0  }
0x1d: {  	s5 =	simm.s32 @p1 $0x1;
	p0 =	seq.s32 s7, s2  }
0x1e: {  	s7 =	smul.u32 @!p0 $0xF7A, s2;
	p2 =	seq.s32 @!p0 s5, $0x0  }
0x1f: {  	s9 =	smul.u32 $0xF7A, s1;
	s8 =	simm.s32 @!p0 $0x1BF5;
	p2 =	por !p2, p0  }
0x20: {  	[sflag:s8] =	ssyncset.s32 @!p0 $0xFFFFF086;
	s6 =	sadd.s32 @!p0 s3, s7;
	s7 =	simm.s32 @!p0 $0x108  }
0x21: {  	s3 =	sadd.s32 s3, s9;
	s6 =	sadd.s32 @!p0 $0x88, s6;
	s7 =	simm.s32 @p2 $0x1082  }
0x22: {  	[simem:s7], [sflag:s8] =	dma.local @!p0 [hbm:s6], $0xF7A  }
0x23: {  	s9 =	sor.u32 $0xD0000000, s2;
	s6 =	simm.s32 $0x108;
	_ =	swait.ge @!p0 [sflag:s8], $0x0  }
0x24: {  	s3 =	sadd.s32 $0x88, s3;
	s6 =	simm.s32 @!p1 $0x1082;
	[sflag:s4] =	ssyncset.s32 $0xFFFFF086  }
0x25: {  	[simem:s6], [sflag:s4] =	dma.local [hbm:s3], $0xF7A  }
0x26: {  	[smem:$0x3F92] =	sst s1;
	(tag) =	ssettag s2;
	_ =	strace s9  }
0x27: {  	s1 =	sld [smem:$0x3FA2]  }
0x28: {  	s2 =	sld [smem:$0x3FA3]  }
0x29: {  	s4 =	sld [smem:$0x3FA5]  }
0x2a: {  	p0 =	seq.s32 s5, $0x0;
	s5 =	sld [smem:$0x3FA6]  }
0x2b: {  	s6 =	sld [smem:$0x3FA7]  }
0x2c: {  	s7 =	sld [smem:$0x3FA8]  }
0x2d: {  	s3 =	simm.s32 $0x108;
	s8 =	sld [smem:$0x3FA9]  }
0x2e: {  	s3 =	simm.s32 @!p0 $0x1082;
	s9 =	sld [smem:$0x3FAA]  }
0x2f: {  	lr =	sadd.s32 s0, s3;
	s0 =	sld [smem:$0x3FA1]  }
0x30: {  	s3 =	sld [smem:$0x3FA4]  }
0x31: {  	[smem:$0x3FAD] =	sst s10  }
0x32: {  	s10 =	sld [smem:$0x3FAB];
	_ =	sdelay $0x3  }
0x33: {  	p0 =	seq.s32 s10, $0x1;
	s10 =	sld [smem:$0x3FAD];
	_ =	sdelay $0x3  }
0x34: {  	[smem:$0x3FAD] =	sst s10  }
0x35: {  	s10 =	sld [smem:$0x3FAC];
	_ =	sdelay $0x3  }
0x36: {  	p1 =	seq.s32 s10, $0x1;
	s10 =	sld [smem:$0x3FAD];
	_ =	sdelay $0x3  }
0x37: {  	[smem:$0x3FAD] =	sst s10  }
0x38: {  	s10 =	sld [smem:$0x3FAE]  }
0x39: {  	_ = 	snop;
	(pc) =	sbr.ind lr, $3  }
0x3a: {  	_ = 	snop  }
0x3b: {  	_ = 	snop  }
0x3c: {  	p2 =	seq.s32 s10, $0x1;
	s10 =	sld [smem:$0x3FAD]  }
0x3d: {  	_ =	shalt  }
0x3e: {  	_ =	shalt  }
0x3f: {  	_ =	shalt  }
0x40: {  	_ =	shalt  }
0x41: {  	_ =	shalt  }
0x42: {  	_ =	shalt  }
0x43: {  	_ =	shalt  }
0x44: {  	_ =	shalt  }
0x45: {  	_ =	shalt  }
0x46: {  	_ =	shalt  }
0x47: {  	_ =	shalt  }
0x48: {  	_ =	shalt  }
0x49: {  	_ =	shalt  }
0x4a: {  	_ =	shalt  }
0x4b: {  	_ =	shalt  }
0x4c: {  	_ =	shalt  }
0x4d: {  	_ =	shalt  }
0x4e: {  	_ =	shalt  }
0x4f: {  	_ =	shalt  }
0x50: {  	_ =	shalt  }
0x51: {  	_ =	shalt  }
0x52: {  	_ =	shalt  }
0x53: {  	_ =	shalt  }
0x54: {  	_ =	shalt  }
0x55: {  	_ =	shalt  }
0x56: {  	_ =	shalt  }
0x57: {  	_ =	shalt  }
0x58: {  	_ =	shalt  }
0x59: {  	_ =	shalt  }
0x5a: {  	_ =	shalt  }
0x5b: {  	_ =	shalt  }
0x5c: {  	_ =	shalt  }
0x5d: {  	_ =	shalt  }
0x5e: {  	_ =	shalt  }
0x5f: {  	_ =	shalt  }
0x60: {  	_ =	shalt  }
0x61: {  	_ =	shalt  }
0x62: {  	_ =	shalt  }
0x63: {  	_ =	shalt  }
0x64: {  	_ =	shalt  }
0x65: {  	_ =	shalt  }
0x66: {  	_ =	shalt  }
0x67: {  	_ =	shalt  }
0x68: {  	_ =	shalt  }
0x69: {  	_ =	shalt  }
0x6a: {  	_ =	shalt  }
0x6b: {  	_ =	shalt  }
0x6c: {  	_ =	shalt  }
0x6d: {  	_ =	shalt  }
0x6e: {  	_ =	shalt  }
0x6f: {  	_ =	shalt  }
0x70: {  	_ =	shalt  }
0x71: {  	_ =	shalt  }
0x72: {  	_ =	shalt  }
0x73: {  	_ =	shalt  }
0x74: {  	_ =	shalt  }
0x75: {  	_ =	shalt  }
0x76: {  	_ =	shalt  }
0x77: {  	_ =	shalt  }
0x78: {  	_ =	shalt  }
0x79: {  	_ =	shalt  }
0x7a: {  	_ =	shalt  }
0x7b: {  	_ =	shalt  }
0x7c: {  	_ =	shalt  }
0x7d: {  	_ =	shalt  }
0x7e: {  	_ =	shalt  }
0x7f: {  	_ =	shalt  }
0x80: {  	_ =	shalt  }
0x81: {  	_ =	shalt  }
0x82: {  	_ =	shalt  }
0x83: {  	_ =	shalt  }
0x84: {  	_ =	shalt  }
0x85: {  	_ =	shalt  }
0x86: {  	_ =	shalt  }
0x87: {  	_ =	shalt  }
.Lfunc_end0:
.L_simem_size_0:
called_computation_lowered:
.L_overlay_start_0:
0x88: {  	s2 =	sld [smem:$0x3FD9]  }
0x89: {  	s3 =	sld [smem:$0x3FFE];
	_ =	sdelay $0x1  }
0x8a: {  	s1 =	srdreg.scid  }
0x8b: {  	s0 =	sand.u32 $0x1, s1  }
0x8c: {  	s17 =	sshll.u32 s0, $0xA;
	s2 =	sadd.s32 s3, s2  }
0x8d: {  	s2 =	sadd.s32 s2, s17  }
0x8e: {  	[smem:$0x3FB9] =	sst s2  }
0x8f: {  	_ = 	snop  }
0x90: {  	s2 =	sld [smem:$0x3FD0];
	(tm) =	ssettm $0x1  }
0x91: {  	s18 =	sld [smem:$0x3FFB];
	_ =	sdelay $0x3  }
0x92: {  	_ =	strace s18  }
0x93: {  	s3 =	sld [smem:$0x3FFC];
	_ =	sdelay $0x3  }
0x94: {  	_ =	strace s3  }
0x95: {  	s3 =	sld [smem:$0x3FFD];
	_ =	sdelay $0x3  }
0x96: {  	_ =	strace s3  }
0x97: {  	_ =	strace $0x8FFFFFFF  }
0x98: {  	s19 =	sld [smem:$0x3FDB];
	_ =	sdelay $0x1  }
0x99: {  	s4 =	simm.s32 $_scs_section_size  }
0x9a: {  	s5 =	simm.s32 $_size__tile_overlayer_lowered;
	s6 =	simm.s32 $_tile_overlayer_lowered  }
0x9b: {  	s22 =	simm.s32 $0x1BFF;
	s21 =	sshll.u32 s6, $0x1;
	s3 =	sadd.s32 s4, s19  }
0x9c: {  	s7 =	simm.s32 $0x0;
	s20 =	sshll.u32 s5, $0x1;
	s5 =	sadd.s32 s21, s3  }
0x9d: {  	[timem:s7], [sflag:s22] =	dma.local [hbm:s5], s20  }
0x9e: {  	_ =	swait.ge [sflag:s22], s20  }
0x9f: {  	s4 =	ssub.s32 $0x0, s20;
	[sflag:s22] =	ssyncset.done $0x0  }
0xa0: {  	[sflag:s22] =	ssyncadd.s32 s4;
	_ =	sdelay $0x1  }
0xa1: {  	s23 =	simm.s32 $0x1B8B  }
0xa2: {  	_ =	swait.ge [sflag:s23], $0x1  }
0xa3: {  	[sflag:s23] =	ssyncset.done $0x0  }
0xa4: {  	s25 =	simm.s32 $0x1B8E;
	s24 =	sld [smem:$0x3FFE];
	[sflag:s23] =	ssyncadd.s32 $0xFFFFFFFF  }
0xa5: {  	s26 =	simm.s32 $execute0_lowered;
	[smem:$0x3FD2] =	sst s25  }
0xa6: {  	s5 =	sshll.u32 s26, $0x1;
	_ =	strace $0x80000046;
	[dreg:$0x1] =	wrdreg $0xFFFFFFFF  }
0xa7: {  	s28 =	simm.s32 $_size_execute0_lowered;
	s3 =	sadd.s32 s3, s5;
	[dreg:$0x0] =	wrdreg $0x0  }
0xa8: {  	s5 =	sshll.u32 s28, $0x1;
	[dreg:$0x2] =	wrdreg s3  }
0xa9: {  	[dreg:$0x3] =	wrdreg s5  }
0xaa: {  	[dreg:$0x4] =	wrdreg $0xC0  }
0xab: {  	_ =	task [dreg:s7], $0x5FFFF  }
0xac: {  	[dreg:$0x1] =	wrdreg $0xFFFFFFFF  }
0xad: {  	[dreg:$0x0] =	wrdreg $0x60  }
0xae: {  	[dreg:$0x2] =	wrdreg s24  }
0xaf: {  	[dreg:$0x3] =	wrdreg s2  }
0xb0: {  	[dreg:$0x4] =	wrdreg $0x9  }
0xb1: {  	_ =	task.clear_ibuf [dreg:s7], $0x5FFFF;
	_ =	strace $0x90000046  }
0xb2: {  	s29 =	simm.s32 $0x9;
	_ =	strace $0x80000048  }
0xb3: {  	_ =	swait.ge [sflag:s29], $0x1  }
0xb4: {  	[sflag:s29] =	ssyncadd.s32 $0xFFFFFFFF  }
0xb5: {  	_ =	strace $0x90000048  }
0xb6: {  	_ =	sfence  }
0xb7: {  	s30 =	sld [smem:$0x0];
	_ =	sdelay $0x2  }
0xb8: {  	s31 =	sshll.u32 s1, $0xD;
	s1 =	sshrl.u32 s1, $0x2  }
0xb9: {  	s3 =	sand.u32 $0x4000, s31;
	s1 =	sadd.s32 s1, s30  }
0xba: {  	s0 =	sor.u32 s3, s0;
	s1 =	sshll.u32 s1, $0x11  }
0xbb: {  	s0 =	sor.u32 s1, s0  }
0xbc: {  	s0 =	sadd.s32 $0x8F2B, s0  }
0xbd: {  	[sflag:s0] =	ssyncadd.remote.s32 $0x1  }
0xbe: {  	_ =	sfence.sel $0xFFFF  }
0xbf: {  	[dreg:$0x0] =	wrdreg $0xFFFFFFFF;
	(pc) =	sbr.abs _section_cstart, $3  }
0xc0: {  	[dreg:$0x1] =	wrdreg $0xFFFFFFFF  }
0xc1: {  	_ =	task.clear_ibuf [dreg:s7], $0x2FFFF;
	_ =	strace $0x9FFFFFFF  }
0xc2: {  	(tm) =	ssettm $0x7FFFFFFF  }
0xc3: {  	_ =	shalt  }
tec
execute0_lowered:
.L_overlay_start_1:
0x0: {  	(tag) =	ssettag $0x1  }
0x1: {  	s0 =	rddreg [dreg:$0x0]  }
0x2: {  	s1 =	rddreg [dreg:$0x1]  }
0x3: {  	s2 =	simm.s32 $0x0;
	s6 =	stileid.u32;
	s3 =	srdreg.scid  }
0x4: {  	s10 =	simm.s32 $0x1A00;
	s11 =	simm.s32 $0x1;
	s12 =	simm.s32 $0x2  }
0x5: {  	s13 =	simm.s32 $0x80;
	s14 =	simm.s32 $0x4E00;
	s16 =	simm.s32 $0x8E00  }
0x6: {  	s20 =	simm.s32 $0xCE00;
	s23 =	simm.s32 $0x6;
	s24 =	simm.s32 $0x9  }
0x7: {  	s28 =	simm.s32 $0xC;
	s30 =	simm.s32 $0x3;
	s31 =	simm.s32 $0x5  }
0x8: {  	s15 =	simm.s32 $0x7;
	s17 =	simm.s32 $0x0;
	[smem:$0x7FF] =	sst s2  }
0x9: {  	s5 =	sand.u32 $0x1, s3;
	s4 =	sshll.u32 s6, $0x1;
	s3 =	sadd.s32 $0x9600, s0  }
0xa: {  	s6 =	smul.u32 $0x34000, s6;
	_ =	strace $0x80000047;
	s7 =	sor.u32 s5, s4  }
0xb: {  	s4 =	sadd.s32 $0x56600, s0;
	s8 =	ssub.s32 $0x2, s5;
	s5 =	smul.u32 $0x1A000, s5  }
0xc: {  	s7 =	smul.u32 $0x340, s7;
	s9 =	sadd.s32 s6, s0;
	s25 =	sshrl.u32 s8, $0x1  }
.Ltmp0:
0xd: {  	s8 =	ssub.s32 s8, s25;
	s29 =	sadd.s32 s5, s9;
	(pc) =	sbr.rel .LBB2_1-.Ltmp0, $4  }
0xe: {  	s25 =	simm.s32 $0xA;
	s0 =	sadd.s32 s7, s0;
	s1 =	sadd.s32 s1, s7  }
0xf: {  	s8 =	smax.u32 s8, $0x1;
	s22 =	sadd.s32 $0x5D800, s29;
	[dreg:$0x3] =	wrdreg s1  }
0x10: {  	s26 =	sadd.s32 $0x2E00, s0;
	s7 =	sadd.s32 $0x57000, s0;
	s0 =	simm.s32 $0x8  }
0x11: {  	s1 =	simm.s32 $0x4;
	[dreg:$0x4] =	wrdreg s26;
	s26 =	simm.s32 $0xB  }
.LBB2_8:
0x12: {  	_ =	swait.ge [sflag:s25], $0x4000  }
0x13: {  	[sflag:s25] =	ssyncset.done $0x0  }
0x14: {  	[sflag:s25] =	ssyncadd.s32 $0xFFFFC000  }
0x15: {  	_ =	swait.ge [sflag:s26], $0x4000  }
0x16: {  	[sflag:s26] =	ssyncset.done $0x0  }
0x17: {  	[sflag:s26] =	ssyncadd.s32 $0xFFFFC000  }
0x18: {  	s17 =	sadd.s32 $0x1, s17;
	_ =	swait.ge [sflag:s28], $0x4000  }
0x19: {  	p0 =	sne.s32 s17, s8;
	[sflag:s28] =	ssyncset.done $0x0  }
.Ltmp1:
0x1a: {  	s5 =	simm.s32 $0x3400;
	[sflag:s28] =	ssyncadd.s32 $0xFFFFC000;
	(pc) =	sbr.rel @!p0 .LBB2_9-.Ltmp1, $4  }
0x1b: {  	[hbm4b:s7+s2] =	stream.linear.scatter [tilespmem:s5], [sflag:$0x3], $0x1A00, $0x38;
	[tilespmem:$0x10F80] =	vst v63  }
0x1c: {  	_ =	swait.ge [sflag:s30], $0x1A00  }
0x1d: {  	[sflag:s30] =	ssyncset.done $0x0  }
0x1e: {  	[sflag:s30] =	ssyncadd.s32 $0xFFFFE600  }
.LBB2_1:
0x1f: {  	s5 =	rddreg [dreg:$0x3]  }
0x20: {  	[tilespmem:s2], [sflag:$0x1] =	stream.linear.gather [hbm4b:s5+s2], $0x1A00, $0x38;
	[tilespmem:$0x10F80] =	vst v63  }
0x21: {  	s21 =	rddreg [dreg:$0x4]  }
0x22: {  	[tilespmem:s10], [sflag:$0x2] =	stream.linear.gather [hbm4b:s21+s2], $0x1A00, $0x38;
	[tilespmem:$0x10F80] =	vst v63  }
0x23: {  	_ =	swait.ge [sflag:s11], $0x1A00  }
0x24: {  	[sflag:s11] =	ssyncset.done $0x0  }
0x25: {  	[sflag:s11] =	ssyncadd.s32 $0xFFFFE600  }
0x26: {  	_ =	swait.ge [sflag:s12], $0x1A00  }
0x27: {  	[sflag:s12] =	ssyncset.done $0x0  }
0x28: {  	[sflag:s12] =	ssyncadd.s32 $0xFFFFE600  }
0x29: {  	[tilespmem:s14], [sflag:$0x4] =	stream.indirect.gather [hbm4b:s3+s13], $0x80, s2, s13, $0xb8;
	[tilespmem:$0x10F80] =	vst v63  }
0x2a: {  	s6 =	simm.s32 $0x10E00  }
0x2b: {  	[tilespmem:s6], [sflag:$0x7] =	stream.indirect.gather [hbm4b:s4+s13], $0x1, s10, s13, $0xb8;
	[tilespmem:$0x10F80] =	vst v63  }
0x2c: {  	_ = 	snop  }
0x2d: {  	[tilespmem:s16], [sflag:$0x5] =	stream.indirect.gather [hbm4b:s3+s13], $0x80, s13, s13, $0xb8;
	[tilespmem:$0x10F80] =	vst v63  }
0x2e: {  	s9 =	simm.s32 $0x1A80;
	s6 =	simm.s32 $0x10E80  }
0x2f: {  	[tilespmem:s6], [sflag:$0x8] =	stream.indirect.gather [hbm4b:s4+s13], $0x1, s9, s13, $0xb8;
	[tilespmem:$0x10F80] =	vst v63  }
.Ltmp2:
0x30: {  	s18 =	simm.s32 $0x100;
	s19 =	simm.s32 $0x1B00;
	(pc) =	sbr.rel .LBB2_2-.Ltmp2, $4  }
0x31: {  	[tilespmem:s20], [sflag:$0x6] =	stream.indirect.gather [hbm4b:s3+s13], $0x80, s18, s13, $0xb8;
	[tilespmem:$0x10F80] =	vst v63  }
0x32: {  	s29 =	simm.s32 $0x0;
	s21 =	simm.s32 $0x10F00;
	s9 =	smov.u32 s22  }
0x33: {  	[tilespmem:s21], [sflag:$0x9] =	stream.indirect.gather [hbm4b:s4+s13], $0x1, s19, s13, $0xb8;
	[tilespmem:$0x10F80] =	vst v63  }
0x34: {  	s18 =	simm.s32 $0x1B80;
	s19 =	simm.s32 $0x180;
	s21 =	simm.s32 $0x3440  }
.LBB2_6:
0x35: {  	_ =	swait.ge [sflag:s23], $0x4000  }
0x36: {  	[sflag:s23] =	ssyncset.done $0x0  }
0x37: {  	[sflag:s23] =	ssyncadd.s32 $0xFFFFC000  }
0x38: {  	[hbm4b:s9+s2] =	stream.linear.scatter [tilespmem:s20], [sflag:$0xC], $0x4000, $0x38;
	[tilespmem:$0x10F80] =	vst v63  }
0x39: {  	_ =	swait.ge [sflag:s24], $0x80  }
0x3a: {  	[sflag:s24] =	ssyncset.done $0x0  }
0x3b: {  	[sflag:s24] =	ssyncadd.s32 $0xFFFFFF80  }
0x3c: {  	v0 =	vld [tilespmem:$0x10F00];
	_ =	sdelay $0x4  }
0x3d: {  	[tilespmem:s21+$0xFFFFFFC0] =	vst v0  }
0x3e: {  	v0 =	vld [tilespmem:$0x10F10];
	_ =	sdelay $0x4  }
0x3f: {  	[tilespmem:s21+$0xFFFFFFD0] =	vst v0  }
0x40: {  	v0 =	vld [tilespmem:$0x10F20];
	_ =	sdelay $0x4  }
0x41: {  	[tilespmem:s21+$0xFFFFFFE0] =	vst v0  }
0x42: {  	v0 =	vld [tilespmem:$0x10F30];
	_ =	sdelay $0x4  }
0x43: {  	[tilespmem:s21+$0xFFFFFFF0] =	vst v0  }
0x44: {  	v0 =	vld [tilespmem:$0x10F40];
	_ =	sdelay $0x4  }
0x45: {  	[tilespmem:s21+$0x0] =	vst v0  }
0x46: {  	v0 =	vld [tilespmem:$0x10F50];
	_ =	sdelay $0x4  }
0x47: {  	[tilespmem:s21+$0x10] =	vst v0  }
0x48: {  	v0 =	vld [tilespmem:$0x10F60];
	_ =	sdelay $0x4  }
0x49: {  	[tilespmem:s21+$0x20] =	vst v0  }
0x4a: {  	v0 =	vld [tilespmem:$0x10F70];
	_ =	sdelay $0x3  }
0x4b: {  	p0 =	sgt.u32 s29, $0x30  }
0x4c: {  	s5 =	simm.s32 @!p0 $0xC;
	[tilespmem:s21+$0x30] =	vst v0  }
0x4d: {  	_ =	swait.ge @!p0 [sflag:s5], $0x4000  }
0x4e: {  	[sflag:s5] =	ssyncset.done @!p0 $0x0  }
0x4f: {  	s6 =	simm.s32 @!p0 $0xCE00;
	[sflag:s5] =	ssyncadd.s32 @!p0 $0xFFFFC000;
	s5 =	simm.s32 @!p0 $0x80  }
0x50: {  	[tilespmem:s6], [sflag:$0x6] =	stream.indirect.gather @!p0 [hbm4b:s3+s5], $0x80, s19, s5, $0xb8;
	[tilespmem:$0x10F80] =	vst v63  }
0x51: {  	s6 =	simm.s32 @!p0 $0x10F00  }
0x52: {  	[tilespmem:s6], [sflag:$0x9] =	stream.indirect.gather @!p0 [hbm4b:s4+s5], $0x1, s18, s5, $0xb8;
	[tilespmem:$0x10F80] =	vst v63  }
.LBB2_7:
0x53: {  	s29 =	sadd.s32 $0x1, s29  }
0x54: {  	p0 =	sne.s32 s29, $0x34  }
.Ltmp3:
0x55: {  	_ = 	snop;
	(pc) =	sbr.rel @!p0 .LBB2_8-.Ltmp3, $3  }
0x56: {  	_ =	sdelay $0x1  }
0x57: {  	s18 =	sadd.s32 $0x80, s18  }
0x58: {  	s19 =	sadd.s32 $0x80, s19;
	s9 =	sadd.s32 $0x800, s9;
	s21 =	sadd.s32 $0x80, s21  }
.LBB2_2:
0x59: {  	s5 =	smul.u32 $0xAB, s29;
	_ =	sdelay $0x1  }
0x5a: {  	s5 =	sshrl.u32 s5, $0x9  }
0x5b: {  	s5 =	sand.u32 $0x7F, s5  }
0x5c: {  	s5 =	smul.u32 $0x3, s5;
	_ =	sdelay $0x1  }
0x5d: {  	s5 =	ssub.s32 s29, s5  }
0x5e: {  	s5 =	sand.u32 $0xFF, s5  }
0x5f: {  	p0 =	seq.s32 s5, $0x2  }
.Ltmp4:
0x60: {  	_ = 	snop;
	(pc) =	sbr.rel @p0 .LBB2_6-.Ltmp4, $1  }
0x61: {  	_ =	sdelay $0x3  }
0x62: {  	p0 =	seq.s32 s5, $0x1  }
.Ltmp5:
0x63: {  	_ = 	snop;
	(pc) =	sbr.rel @!p0 .LBB2_4-.Ltmp5, $1  }
0x64: {  	_ =	sdelay $0x3  }
0x65: {  	_ =	swait.ge [sflag:s31], $0x4000  }
0x66: {  	[sflag:s31] =	ssyncset.done $0x0  }
0x67: {  	[sflag:s31] =	ssyncadd.s32 $0xFFFFC000  }
0x68: {  	[hbm4b:s9+s2] =	stream.linear.scatter [tilespmem:s16], [sflag:$0xB], $0x4000, $0x38;
	[tilespmem:$0x10F80] =	vst v63  }
0x69: {  	_ =	swait.ge [sflag:s0], $0x80  }
0x6a: {  	[sflag:s0] =	ssyncset.done $0x0  }
0x6b: {  	[sflag:s0] =	ssyncadd.s32 $0xFFFFFF80  }
0x6c: {  	v0 =	vld [tilespmem:$0x10E80];
	_ =	sdelay $0x4  }
0x6d: {  	[tilespmem:s21+$0xFFFFFFC0] =	vst v0  }
0x6e: {  	v0 =	vld [tilespmem:$0x10E90];
	_ =	sdelay $0x4  }
0x6f: {  	[tilespmem:s21+$0xFFFFFFD0] =	vst v0  }
0x70: {  	v0 =	vld [tilespmem:$0x10EA0];
	_ =	sdelay $0x4  }
0x71: {  	[tilespmem:s21+$0xFFFFFFE0] =	vst v0  }
0x72: {  	v0 =	vld [tilespmem:$0x10EB0];
	_ =	sdelay $0x4  }
0x73: {  	[tilespmem:s21+$0xFFFFFFF0] =	vst v0  }
0x74: {  	v0 =	vld [tilespmem:$0x10EC0];
	_ =	sdelay $0x4  }
0x75: {  	[tilespmem:s21+$0x0] =	vst v0  }
0x76: {  	v0 =	vld [tilespmem:$0x10ED0];
	_ =	sdelay $0x4  }
0x77: {  	[tilespmem:s21+$0x10] =	vst v0  }
0x78: {  	v0 =	vld [tilespmem:$0x10EE0];
	_ =	sdelay $0x4  }
0x79: {  	[tilespmem:s21+$0x20] =	vst v0  }
0x7a: {  	v0 =	vld [tilespmem:$0x10EF0];
	_ =	sdelay $0x3  }
0x7b: {  	p0 =	sgt.u32 s29, $0x30  }
0x7c: {  	s5 =	simm.s32 @!p0 $0xB;
	[tilespmem:s21+$0x30] =	vst v0  }
0x7d: {  	_ =	swait.ge @!p0 [sflag:s5], $0x4000  }
.Ltmp6:
0x7e: {  	[sflag:s5] =	ssyncset.done @!p0 $0x0;
	(pc) =	sbr.rel .LBB2_7-.Ltmp6, $4  }
0x7f: {  	s6 =	simm.s32 @!p0 $0x8E00;
	[sflag:s5] =	ssyncadd.s32 @!p0 $0xFFFFC000;
	s5 =	simm.s32 @!p0 $0x80  }
0x80: {  	[tilespmem:s6], [sflag:$0x5] =	stream.indirect.gather @!p0 [hbm4b:s3+s5], $0x80, s19, s5, $0xb8;
	[tilespmem:$0x10F80] =	vst v63  }
0x81: {  	s6 =	simm.s32 @!p0 $0x10E80  }
0x82: {  	[tilespmem:s6], [sflag:$0x8] =	stream.indirect.gather @!p0 [hbm4b:s4+s5], $0x1, s18, s5, $0xb8;
	[tilespmem:$0x10F80] =	vst v63  }
.LBB2_4:
0x83: {  	_ =	swait.ge [sflag:s1], $0x4000  }
0x84: {  	[sflag:s1] =	ssyncset.done $0x0  }
0x85: {  	[sflag:s1] =	ssyncadd.s32 $0xFFFFC000  }
0x86: {  	[hbm4b:s9+s2] =	stream.linear.scatter [tilespmem:s14], [sflag:$0xA], $0x4000, $0x38;
	[tilespmem:$0x10F80] =	vst v63  }
0x87: {  	_ =	swait.ge [sflag:s15], $0x80  }
0x88: {  	[sflag:s15] =	ssyncset.done $0x0  }
0x89: {  	[sflag:s15] =	ssyncadd.s32 $0xFFFFFF80  }
0x8a: {  	v0 =	vld [tilespmem:$0x10E00];
	_ =	sdelay $0x4  }
0x8b: {  	[tilespmem:s21+$0xFFFFFFC0] =	vst v0  }
0x8c: {  	v0 =	vld [tilespmem:$0x10E10];
	_ =	sdelay $0x4  }
0x8d: {  	[tilespmem:s21+$0xFFFFFFD0] =	vst v0  }
0x8e: {  	v0 =	vld [tilespmem:$0x10E20];
	_ =	sdelay $0x4  }
0x8f: {  	[tilespmem:s21+$0xFFFFFFE0] =	vst v0  }
0x90: {  	v0 =	vld [tilespmem:$0x10E30];
	_ =	sdelay $0x4  }
0x91: {  	[tilespmem:s21+$0xFFFFFFF0] =	vst v0  }
0x92: {  	v0 =	vld [tilespmem:$0x10E40];
	_ =	sdelay $0x4  }
0x93: {  	[tilespmem:s21+$0x0] =	vst v0  }
0x94: {  	v0 =	vld [tilespmem:$0x10E50];
	_ =	sdelay $0x4  }
0x95: {  	[tilespmem:s21+$0x10] =	vst v0  }
0x96: {  	v0 =	vld [tilespmem:$0x10E60];
	_ =	sdelay $0x4  }
0x97: {  	[tilespmem:s21+$0x20] =	vst v0  }
0x98: {  	v0 =	vld [tilespmem:$0x10E70];
	_ =	sdelay $0x3  }
0x99: {  	p0 =	sgt.u32 s29, $0x30  }
0x9a: {  	s5 =	simm.s32 @!p0 $0xA;
	[tilespmem:s21+$0x30] =	vst v0  }
0x9b: {  	_ =	swait.ge @!p0 [sflag:s5], $0x4000  }
.Ltmp7:
0x9c: {  	[sflag:s5] =	ssyncset.done @!p0 $0x0;
	(pc) =	sbr.rel .LBB2_7-.Ltmp7, $4  }
0x9d: {  	s6 =	simm.s32 @!p0 $0x4E00;
	[sflag:s5] =	ssyncadd.s32 @!p0 $0xFFFFC000;
	s5 =	simm.s32 @!p0 $0x80  }
0x9e: {  	[tilespmem:s6], [sflag:$0x4] =	stream.indirect.gather @!p0 [hbm4b:s3+s5], $0x80, s19, s5, $0xb8;
	[tilespmem:$0x10F80] =	vst v63  }
0x9f: {  	s6 =	simm.s32 @!p0 $0x10E00  }
0xa0: {  	[tilespmem:s6], [sflag:$0x7] =	stream.indirect.gather @!p0 [hbm4b:s4+s5], $0x1, s18, s5, $0xb8;
	[tilespmem:$0x10F80] =	vst v63  }
.LBB2_9:
0xa1: {  	_ =	sfence.sel $0x180000  }
0xa2: {  	[bflag:$0x0] =	sbarrier.arrive $0xFFFF  }
0xa3: {  	_ =	strace $0x90000047  }
0xa4: {  	s0 =	stileid.u32;
	[bflag:$0x2] =	sbarrier.arrive $0xFFFF  }
0xa5: {  	p0 =	sne.s32 s0, $0x0;
	s0 =	rddreg [dreg:$0x2]  }
0xa6: {  	s0 =	sadd.s32 @!p0 $0x100000, s0  }
0xa7: {  	[sflag:s0] =	ssyncadd.tile.s32 @!p0 $0x1;
	_ =	shalt  }
.Lfunc_end2:
_tile_overlayer_lowered:
.L_overlay_start_2:
0xa8: {  	(tag) =	ssettag $0x2  }
0xa9: {  	s0 =	rddreg [dreg:$0x0];
	s2 =	stileid.u32  }
0xaa: {  	s1 =	rddreg [dreg:$0x1];
	p0 =	sne.s32 s2, $0x0  }
0xab: {  	s3 =	rddreg [dreg:$0x2];
	[bflag:$0x3] =	sbarrier.arrive $0xFFFF;
	s2 =	simm.s32 @!p0 $0x1C0D  }
0xac: {  	[timem:s3], [sflag:s2] =	dma.local @!p0 [hbm:s0], s1  }
0xad: {  	s0 =	simm.s32 @!p0 $0xD  }
0xae: {  	_ =	swait.ge @!p0 [sflag:s0], s1  }
0xaf: {  	s1 =	ssub.s32 @!p0 $0x0, s1;
	[sflag:s0] =	ssyncset.done @!p0 $0x0  }
0xb0: {  	[sflag:s0] =	ssyncadd.s32 @!p0 s1  }
0xb1: {  	[bflag:$0x3] =	sbarrier.arrive $0xFFFF  }
0xb2: {  	_ =	shalt  }

</sc_bundles>
